<compile_context>
chip_gen: v7x
topology: tpu7x:2x2x1
jax: 0.10.2.dev20260603
libtpu: 0.0.44.dev20260713+nightly
codegen_flags: <defaults>
</compile_context>

<pallas_src>
import functools

import jax
import jax.numpy as jnp
from jax import lax
from jax.experimental import pallas as pl
from jax.experimental.pallas import tpu as pltpu
from jax.experimental.pallas import tpu_sc as plsc

N = 10000
NPAD = 10240
E = 320000
D = 128
CC = 64

NC = 2
NS = 16
NW = NC * NS
EW = E // NW
K = 80
NCHUNK = EW // K
ROWS_PER_TILE = NPAD // NS

_mesh = plsc.VectorSubcoreMesh(core_axis_name="c", subcore_axis_name="s")


def _fill_1d(ref, n, val):
    def body(i, carry):
        ref[pl.ds(i * 16, 16)] = jnp.full((16,), val, jnp.float32)
        return carry
    lax.fori_loop(0, n // 16, body, 0)


@functools.partial(
    pl.kernel,
    out_type=jax.ShapeDtypeStruct((NC, 2, NPAD), jnp.float32),
    mesh=_mesh,
    scratch_types=[
        pltpu.VMEM((K,), jnp.int32),
        pltpu.VMEM((K,), jnp.float32),
        pltpu.VMEM((ROWS_PER_TILE,), jnp.float32),
        pltpu.VMEM_SHARED((NPAD,), jnp.float32),
        pltpu.VMEM_SHARED((NPAD,), jnp.float32),
    ],
    compiler_params=pltpu.CompilerParams(use_tc_tiling_on_sc=False),
)
def _sc_degrees(src_hbm, dst_hbm, deg_hbm, idx_v, ones_v, zeros_v,
                dout_sh, din_sh):
    c = lax.axis_index("c")
    s = lax.axis_index("s")
    _fill_1d(ones_v, K, 1.0)
    _fill_1d(zeros_v, ROWS_PER_TILE, 0.0)
    row0 = s * ROWS_PER_TILE
    pltpu.sync_copy(zeros_v, dout_sh.at[pl.ds(row0, ROWS_PER_TILE)])
    pltpu.sync_copy(zeros_v, din_sh.at[pl.ds(row0, ROWS_PER_TILE)])
    plsc.subcore_barrier()
    base = (c * NS + s) * EW

    def chunk(k, carry):
        off = base + k * K
        pltpu.sync_copy(src_hbm.at[pl.ds(off, K)], idx_v)
        pltpu.sync_copy(ones_v, dout_sh.at[idx_v], add=True)
        pltpu.sync_copy(dst_hbm.at[pl.ds(off, K)], idx_v)
        pltpu.sync_copy(ones_v, din_sh.at[idx_v], add=True)
        return carry

    lax.fori_loop(0, NCHUNK, chunk, 0)
    plsc.subcore_barrier()
    pltpu.sync_copy(dout_sh.at[pl.ds(row0, ROWS_PER_TILE)],
                    deg_hbm.at[c, 0, pl.ds(row0, ROWS_PER_TILE)])
    pltpu.sync_copy(din_sh.at[pl.ds(row0, ROWS_PER_TILE)],
                    deg_hbm.at[c, 1, pl.ds(row0, ROWS_PER_TILE)])


ZB = 64


@functools.partial(
    pl.kernel,
    out_type=jax.ShapeDtypeStruct((NC, NPAD, CC), jnp.float32),
    mesh=_mesh,
    scratch_types=[
        pltpu.VMEM((K,), jnp.int32),
        pltpu.VMEM((K,), jnp.int32),
        pltpu.VMEM((K, CC), jnp.float32),
        pltpu.VMEM((ZB, CC), jnp.float32),
        pltpu.VMEM_SHARED((NPAD, CC), jnp.float32),
        pltpu.SemaphoreType.DMA,
    ],
    compiler_params=pltpu.CompilerParams(use_tc_tiling_on_sc=False),
)
def _sc_segsum(z_hbm, src_hbm, dst_hbm, out_hbm, isrc_v, idst_v, rows_v,
               zb_v, agg_sh, sem):
    c = lax.axis_index("c")
    s = lax.axis_index("s")

    def zrow(i, carry):
        r = i // (CC // 16)
        j = i % (CC // 16)
        zb_v[r, pl.ds(j * 16, 16)] = jnp.zeros((16,), jnp.float32)
        return carry

    lax.fori_loop(0, ZB * (CC // 16), zrow, 0)
    row0 = s * ROWS_PER_TILE

    def zcopy(j, carry):
        pltpu.sync_copy(zb_v, agg_sh.at[pl.ds(row0 + j * ZB, ZB)])
        return carry

    lax.fori_loop(0, ROWS_PER_TILE // ZB, zcopy, 0)
    plsc.subcore_barrier()
    base = (c * NS + s) * EW

    def chunk(k, carry):
        off = base + k * K
        pltpu.sync_copy(src_hbm.at[pl.ds(off, K)], isrc_v)
        pltpu.sync_copy(dst_hbm.at[pl.ds(off, K)], idst_v)
        pltpu.async_copy(z_hbm.at[isrc_v], rows_v, sem).wait()
        pltpu.sync_copy(rows_v, agg_sh.at[idst_v], add=True)
        return carry

    lax.fori_loop(0, NCHUNK, chunk, 0)
    plsc.subcore_barrier()
    pltpu.sync_copy(agg_sh.at[pl.ds(row0, ROWS_PER_TILE)],
                    out_hbm.at[c, pl.ds(row0, ROWS_PER_TILE)])


def _tc_norms_body(deg_ref, x1_ref, ns_ref, nd_ref, z1_ref):
    deg = deg_ref[...]
    d = deg[0] + deg[1]
    do = d[0]
    di = d[1]
    ns = jnp.where(do > 0, lax.rsqrt(jnp.maximum(do, 1.0)), 0.0)
    nd = jnp.where(di > 0, lax.rsqrt(jnp.maximum(di, 1.0)), 0.0)
    ns_ref[...] = ns
    nd_ref[...] = nd
    z1_ref[...] = x1_ref[...] * ns


_tc_norms = pl.pallas_call(
    _tc_norms_body,
    out_shape=(
        jax.ShapeDtypeStruct((NPAD, 1), jnp.float32),
        jax.ShapeDtypeStruct((NPAD, 1), jnp.float32),
        jax.ShapeDtypeStruct((NPAD, CC), jnp.float32),
    ),
)


def _tc_ep1_body(p_ref, nd_ref, ns_ref, x0_ref, w_ref, b_ref, y0_ref, z2_ref):
    agg = (p_ref[0] + p_ref[1]) * nd_ref[...]
    y0 = (x0_ref[...] + b_ref[...][None, :]
          + jnp.dot(agg, w_ref[...], preferred_element_type=jnp.float32))
    y0_ref[...] = y0
    z2_ref[...] = y0 * ns_ref[...]


_tc_ep1 = pl.pallas_call(
    _tc_ep1_body,
    out_shape=(
        jax.ShapeDtypeStruct((NPAD, CC), jnp.float32),
        jax.ShapeDtypeStruct((NPAD, CC), jnp.float32),
    ),
)


def _tc_ep2_body(p_ref, nd_ref, x1_ref, y0_ref, w_ref, b_ref, out_ref):
    agg = (p_ref[0] + p_ref[1]) * nd_ref[...]
    y1 = (x1_ref[...] + b_ref[...][None, :]
          + jnp.dot(agg, w_ref[...], preferred_element_type=jnp.float32))
    out_ref[:, :CC] = y0_ref[...]
    out_ref[:, CC:] = y1


_tc_ep2 = pl.pallas_call(
    _tc_ep2_body,
    out_shape=jax.ShapeDtypeStruct((NPAD, D), jnp.float32),
)


def kernel(x, edge_index, W0, b0, W1, b1):
    src = edge_index[0].astype(jnp.int32)
    dst = edge_index[1].astype(jnp.int32)
    xp = jnp.pad(x, ((0, NPAD - N), (0, 0)))
    x0 = xp[:, :CC]
    x1 = xp[:, CC:]
    deg = _sc_degrees(src, dst).reshape(NC, 2, NPAD, 1)
    ns, nd, z1 = _tc_norms(deg, x1)
    p0 = _sc_segsum(z1, src, dst)
    y0, z2 = _tc_ep1(p0, nd, ns, x0, W0, b0)
    p1 = _sc_segsum(z2, src, dst)
    out = _tc_ep2(p1, nd, x1, y0, W1, b1)
    return out[:N]

# --- scband reference (transcript-rebuilt; emitter-appended) ---
"""Pipeline reference for scband-group-rev-res-74053826117773 (READ-ONLY COPY).

The authoritative reference and input builder live on the scoring server;
editing this copy changes nothing except your own understanding.
"""

import jax, jax.numpy as jnp
import numpy as np

N = 10000
E = 320000
D = 128
G = 2
C = D // G


def setup_inputs(seed: int = 0) -> dict:
    key = jax.random.key(seed)
    k1, k2, k3, k4 = jax.random.split(key, 4)
    x = jax.random.normal(k1, (N, D), dtype=jnp.float32)
    edge_index = jax.random.randint(k2, (2, E), 0, N).astype(jnp.int64)
    W0 = jax.random.normal(k3, (C, C), dtype=jnp.float32) * 0.05
    W1 = jax.random.normal(k4, (C, C), dtype=jnp.float32) * 0.05
    b0 = jnp.zeros((C,), dtype=jnp.float32)
    b1 = jnp.zeros((C,), dtype=jnp.float32)
    return {"x": x, "edge_index": edge_index, "W0": W0, "b0": b0, "W1": W1, "b1": b1}


def _graph_conv(x, src, dst, W, b, n):
    # DGL GraphConv with norm='both': D_out^{-1/2} on src feats, sum aggregate, D_in^{-1/2} on dst, then linear
    ones = jnp.ones((src.shape[0],), dtype=x.dtype)
    deg_out = jax.ops.segment_sum(ones, src, num_segments=n)
    deg_in = jax.ops.segment_sum(ones, dst, num_segments=n)
    norm_src = jnp.where(deg_out > 0, jax.lax.rsqrt(jnp.maximum(deg_out, 1.0)), 0.0)
    norm_dst = jnp.where(deg_in > 0, jax.lax.rsqrt(jnp.maximum(deg_in, 1.0)), 0.0)
    h = x * norm_src[:, None]
    m = jnp.take(h, src, axis=0)
    agg = jax.ops.segment_sum(m, dst, num_segments=n)
    agg = agg * norm_dst[:, None]
    return agg @ W + b


def reference(x, edge_index, W0, b0, W1, b1):
    # GroupRevRes._forward with group=2
    n = x.shape[0]
    src = edge_index[0]
    dst = edge_index[1]
    x0, x1 = jnp.split(x, G, axis=-1)
    # group 0: y_in = sum(x_chunks[1:]) = x1
    y0 = x0 + _graph_conv(x1, src, dst, W0, b0, n)
    # group 1: y_in = y0
    y1 = x1 + _graph_conv(y0, src, dst, W1, b1, n)
    return jnp.concatenate([y0, y1], axis=-1)

if __name__ == "__main__":
    import jax
    _d = setup_inputs()
    print(jax.jit(kernel)(*tuple(_d.values())))

</pallas_src>

<mosaic_0001>
#map = affine_map<(d0, d1) -> (0)>
#map1 = affine_map<(d0, d1) -> (0, 0, 0)>
module attributes {stable_mosaic.version = 14 : i64} {
  func.func @_sc_degrees(%arg0: i32, %arg1: i32, %arg2: memref<320000xi32, #tpu.memory_space<hbm>>, %arg3: memref<320000xi32, #tpu.memory_space<hbm>>, %arg4: memref<2x2x10240xf32, #tpu.memory_space<hbm>>, %arg5: memref<80xi32, #tpu.memory_space<vmem>>, %arg6: memref<80xf32, #tpu.memory_space<vmem>>, %arg7: memref<640xf32, #tpu.memory_space<vmem>>, %arg8: memref<10240xf32, #tpu.memory_space<vmem_shared>>, %arg9: memref<10240xf32, #tpu.memory_space<vmem_shared>>) attributes {dimension_semantics = [#tpu.dimension_semantics<core_parallel>, #tpu.dimension_semantics<subcore_parallel>], iteration_bounds = array<i64: 2, 16>, scalar_prefetch = 0 : i64, scratch_operands = 5 : i64, tpu.core_type = #tpu.core_type<sc_vector_subcore>, window_params = [{transform_indices = #map}, {transform_indices = #map}, {transform_indices = #map1}]} {
    %scan3A = arith.constant 0 : i32
    %scan3A_0 = arith.constant 0 : i32
    %scan3A_1 = arith.constant 5 : i32
    %scan3A_2 = arith.addi %scan3A_0, %scan3A_1 : i32
    %scan3A_3 = arith.constant 1 : i32
    scf.for %scan3A_24 = %scan3A_0 to %scan3A_2 step %scan3A_3  : i32 {
      %broadcast_in_dim3A = arith.constant 1.000000e+00 : f32
      %broadcast_in_dim3A_25 = vector.broadcast %broadcast_in_dim3A : f32 to vector<16xf32>
      %mul3A_26 = arith.constant 16 : i32
      %mul3A_27 = arith.muli %scan3A_24, %mul3A_26 : i32
      %swap3A = arith.index_cast %mul3A_27 : i32 to index
      %swap3A_28 = tpu.vector_load %arg6[%swap3A] {strides = array<i32>} : memref<80xf32, #tpu.memory_space<vmem>>, vector<16xf32>,
      %swap3A_29 = vector.shape_cast %swap3A_28 : vector<16xf32> to vector<16xf32>
      %swap3A_30 = vector.shape_cast %broadcast_in_dim3A_25 : vector<16xf32> to vector<16xf32>
      tpu.vector_store %arg6[%swap3A], %swap3A_30 {strides = array<i32>} : memref<80xf32, #tpu.memory_space<vmem>>, vector<16xf32>,
    }
    %scan3A_4 = arith.constant 5 : i32
    %scan3A_5 = arith.constant 0 : i32
    %scan3A_6 = arith.constant 0 : i32
    %scan3A_7 = arith.constant 40 : i32
    %scan3A_8 = arith.addi %scan3A_6, %scan3A_7 : i32
    %scan3A_9 = arith.constant 1 : i32
    scf.for %scan3A_24 = %scan3A_6 to %scan3A_8 step %scan3A_9  : i32 {
      %broadcast_in_dim3A = arith.constant 0.000000e+00 : f32
      %broadcast_in_dim3A_25 = vector.broadcast %broadcast_in_dim3A : f32 to vector<16xf32>
      %mul3A_26 = arith.constant 16 : i32
      %mul3A_27 = arith.muli %scan3A_24, %mul3A_26 : i32
      %swap3A = arith.index_cast %mul3A_27 : i32 to index
      %swap3A_28 = tpu.vector_load %arg7[%swap3A] {strides = array<i32>} : memref<640xf32, #tpu.memory_space<vmem>>, vector<16xf32>,
      %swap3A_29 = vector.shape_cast %swap3A_28 : vector<16xf32> to vector<16xf32>
      %swap3A_30 = vector.shape_cast %broadcast_in_dim3A_25 : vector<16xf32> to vector<16xf32>
      tpu.vector_store %arg7[%swap3A], %swap3A_30 {strides = array<i32>} : memref<640xf32, #tpu.memory_space<vmem>>, vector<16xf32>,
    }
    %scan3A_10 = arith.constant 40 : i32
    %mul3A = arith.constant 640 : i32
    %mul3A_11 = arith.muli %arg1, %mul3A : i32
    "tpu.region"() ({
      %run_scoped3A_24 = tpu.sem_alloc : memref<!tpu.dma_semaphore, #tpu.memory_space<semaphore_mem>>
      %dma_start3A = tpu.memref_slice %arg8[%mul3A_11] : memref<10240xf32, #tpu.memory_space<vmem_shared>> -> memref<640xf32, #tpu.memory_space<vmem_shared>>
      %dma_start3A_25 = tpu.memref_slice %arg8[%mul3A_11] : memref<10240xf32, #tpu.memory_space<vmem_shared>> -> memref<640xf32, #tpu.memory_space<vmem_shared>>
      tpu.enqueue_dma source(%arg7 : memref<640xf32, #tpu.memory_space<vmem>>) target(%dma_start3A_25 : memref<640xf32, #tpu.memory_space<vmem_shared>>) target_semaphore(%run_scoped3A_24 : memref<!tpu.dma_semaphore, #tpu.memory_space<semaphore_mem>>)
      %dma_wait3A = tpu.memref_slice %arg8[%mul3A_11] : memref<10240xf32, #tpu.memory_space<vmem_shared>> -> memref<640xf32, #tpu.memory_space<vmem_shared>>
      %dma_wait3A_26 = tpu.memref_slice %arg8[%mul3A_11] : memref<10240xf32, #tpu.memory_space<vmem_shared>> -> memref<640xf32, #tpu.memory_space<vmem_shared>>
      tpu.wait_dma2 semaphore(%run_scoped3A_24 : memref<!tpu.dma_semaphore, #tpu.memory_space<semaphore_mem>>) src(%arg7 : memref<640xf32, #tpu.memory_space<vmem>>) dst(%dma_wait3A_26 : memref<640xf32, #tpu.memory_space<vmem_shared>>)
      tpu.yield
    }) : () -> ()
    "tpu.region"() ({
      %run_scoped3A_24 = tpu.sem_alloc : memref<!tpu.dma_semaphore, #tpu.memory_space<semaphore_mem>>
      %dma_start3A = tpu.memref_slice %arg9[%mul3A_11] : memref<10240xf32, #tpu.memory_space<vmem_shared>> -> memref<640xf32, #tpu.memory_space<vmem_shared>>
      %dma_start3A_25 = tpu.memref_slice %arg9[%mul3A_11] : memref<10240xf32, #tpu.memory_space<vmem_shared>> -> memref<640xf32, #tpu.memory_space<vmem_shared>>
      tpu.enqueue_dma source(%arg7 : memref<640xf32, #tpu.memory_space<vmem>>) target(%dma_start3A_25 : memref<640xf32, #tpu.memory_space<vmem_shared>>) target_semaphore(%run_scoped3A_24 : memref<!tpu.dma_semaphore, #tpu.memory_space<semaphore_mem>>)
      %dma_wait3A = tpu.memref_slice %arg9[%mul3A_11] : memref<10240xf32, #tpu.memory_space<vmem_shared>> -> memref<640xf32, #tpu.memory_space<vmem_shared>>
      %dma_wait3A_26 = tpu.memref_slice %arg9[%mul3A_11] : memref<10240xf32, #tpu.memory_space<vmem_shared>> -> memref<640xf32, #tpu.memory_space<vmem_shared>>
      tpu.wait_dma2 semaphore(%run_scoped3A_24 : memref<!tpu.dma_semaphore, #tpu.memory_space<semaphore_mem>>) src(%arg7 : memref<640xf32, #tpu.memory_space<vmem>>) dst(%dma_wait3A_26 : memref<640xf32, #tpu.memory_space<vmem_shared>>)
      tpu.yield
    }) : () -> ()
    %barrier3A = arith.constant 0 : index
    tpu.barrier barrier_id(%barrier3A)
    %mul3A_12 = arith.constant 16 : i32
    %mul3A_13 = arith.muli %arg0, %mul3A_12 : i32
    %add3A = arith.addi %mul3A_13, %arg1 : i32
    %mul3A_14 = arith.constant 10000 : i32
    %mul3A_15 = arith.muli %add3A, %mul3A_14 : i32
    %scan3A_16 = arith.constant 0 : i32
    %scan3A_17 = arith.constant 0 : i32
    %scan3A_18 = arith.constant 125 : i32
    %scan3A_19 = arith.addi %scan3A_17, %scan3A_18 : i32
    %scan3A_20 = arith.constant 1 : i32
    scf.for %scan3A_24 = %scan3A_17 to %scan3A_19 step %scan3A_20  : i32 {
      %mul3A_25 = arith.constant 80 : i32
      %mul3A_26 = arith.muli %scan3A_24, %mul3A_25 : i32
      %add3A_27 = arith.addi %mul3A_15, %mul3A_26 : i32
      "tpu.region"() ({
        %run_scoped3A_28 = tpu.sem_alloc : memref<!tpu.dma_semaphore, #tpu.memory_space<semaphore_mem>>
        %dma_start3A = tpu.memref_slice %arg2[%add3A_27] : memref<320000xi32, #tpu.memory_space<hbm>> -> memref<80xi32, #tpu.memory_space<hbm>>
        %dma_start3A_29 = tpu.memref_slice %arg2[%add3A_27] : memref<320000xi32, #tpu.memory_space<hbm>> -> memref<80xi32, #tpu.memory_space<hbm>>
        tpu.enqueue_dma source(%dma_start3A_29 : memref<80xi32, #tpu.memory_space<hbm>>) target(%arg5 : memref<80xi32, #tpu.memory_space<vmem>>) target_semaphore(%run_scoped3A_28 : memref<!tpu.dma_semaphore, #tpu.memory_space<semaphore_mem>>)
        %dma_wait3A = tpu.memref_slice %arg2[%add3A_27] : memref<320000xi32, #tpu.memory_space<hbm>> -> memref<80xi32, #tpu.memory_space<hbm>>
        %dma_wait3A_30 = tpu.memref_slice %arg2[%add3A_27] : memref<320000xi32, #tpu.memory_space<hbm>> -> memref<80xi32, #tpu.memory_space<hbm>>
        tpu.wait_dma2 semaphore(%run_scoped3A_28 : memref<!tpu.dma_semaphore, #tpu.memory_space<semaphore_mem>>) src(%dma_wait3A_30 : memref<80xi32, #tpu.memory_space<hbm>>) dst(%arg5 : memref<80xi32, #tpu.memory_space<vmem>>)
        tpu.yield
      }) : () -> ()
      "tpu.region"() ({
        %run_scoped3A_28 = tpu.sem_alloc : memref<!tpu.dma_semaphore, #tpu.memory_space<semaphore_mem>>
        %dma_start3A = arith.constant 0 : i32
        %dma_start3A_29 = tpu.memref_slice %arg8[%dma_start3A] : memref<10240xf32, #tpu.memory_space<vmem_shared>> -> memref<10240xf32, #tpu.memory_space<vmem_shared>>
        tpu.enqueue_indirect_dma source(%arg6 : memref<80xf32, #tpu.memory_space<vmem>>) target(%dma_start3A_29 : memref<10240xf32, #tpu.memory_space<vmem_shared>>) offsets(%arg5 : memref<80xi32, #tpu.memory_space<vmem>>) semaphore(%run_scoped3A_28 : memref<!tpu.dma_semaphore, #tpu.memory_space<semaphore_mem>>) {add = true}
        %dma_wait3A = arith.constant 0 : i32
        %dma_wait3A_30 = tpu.memref_slice %arg8[%dma_wait3A] : memref<10240xf32, #tpu.memory_space<vmem_shared>> -> memref<10240xf32, #tpu.memory_space<vmem_shared>>
        tpu.wait_indirect_dma semaphore(%run_scoped3A_28 : memref<!tpu.dma_semaphore, #tpu.memory_space<semaphore_mem>>) src(%arg6 : memref<80xf32, #tpu.memory_space<vmem>>) dst(%dma_wait3A_30 : memref<10240xf32, #tpu.memory_space<vmem_shared>>)
        tpu.yield
      }) : () -> ()
      "tpu.region"() ({
        %run_scoped3A_28 = tpu.sem_alloc : memref<!tpu.dma_semaphore, #tpu.memory_space<semaphore_mem>>
        %dma_start3A = tpu.memref_slice %arg3[%add3A_27] : memref<320000xi32, #tpu.memory_space<hbm>> -> memref<80xi32, #tpu.memory_space<hbm>>
        %dma_start3A_29 = tpu.memref_slice %arg3[%add3A_27] : memref<320000xi32, #tpu.memory_space<hbm>> -> memref<80xi32, #tpu.memory_space<hbm>>
        tpu.enqueue_dma source(%dma_start3A_29 : memref<80xi32, #tpu.memory_space<hbm>>) target(%arg5 : memref<80xi32, #tpu.memory_space<vmem>>) target_semaphore(%run_scoped3A_28 : memref<!tpu.dma_semaphore, #tpu.memory_space<semaphore_mem>>)
        %dma_wait3A = tpu.memref_slice %arg3[%add3A_27] : memref<320000xi32, #tpu.memory_space<hbm>> -> memref<80xi32, #tpu.memory_space<hbm>>
        %dma_wait3A_30 = tpu.memref_slice %arg3[%add3A_27] : memref<320000xi32, #tpu.memory_space<hbm>> -> memref<80xi32, #tpu.memory_space<hbm>>
        tpu.wait_dma2 semaphore(%run_scoped3A_28 : memref<!tpu.dma_semaphore, #tpu.memory_space<semaphore_mem>>) src(%dma_wait3A_30 : memref<80xi32, #tpu.memory_space<hbm>>) dst(%arg5 : memref<80xi32, #tpu.memory_space<vmem>>)
        tpu.yield
      }) : () -> ()
      "tpu.region"() ({
        %run_scoped3A_28 = tpu.sem_alloc : memref<!tpu.dma_semaphore, #tpu.memory_space<semaphore_mem>>
        %dma_start3A = arith.constant 0 : i32
        %dma_start3A_29 = tpu.memref_slice %arg9[%dma_start3A] : memref<10240xf32, #tpu.memory_space<vmem_shared>> -> memref<10240xf32, #tpu.memory_space<vmem_shared>>
        tpu.enqueue_indirect_dma source(%arg6 : memref<80xf32, #tpu.memory_space<vmem>>) target(%dma_start3A_29 : memref<10240xf32, #tpu.memory_space<vmem_shared>>) offsets(%arg5 : memref<80xi32, #tpu.memory_space<vmem>>) semaphore(%run_scoped3A_28 : memref<!tpu.dma_semaphore, #tpu.memory_space<semaphore_mem>>) {add = true}
        %dma_wait3A = arith.constant 0 : i32
        %dma_wait3A_30 = tpu.memref_slice %arg9[%dma_wait3A] : memref<10240xf32, #tpu.memory_space<vmem_shared>> -> memref<10240xf32, #tpu.memory_space<vmem_shared>>
        tpu.wait_indirect_dma semaphore(%run_scoped3A_28 : memref<!tpu.dma_semaphore, #tpu.memory_space<semaphore_mem>>) src(%arg6 : memref<80xf32, #tpu.memory_space<vmem>>) dst(%dma_wait3A_30 : memref<10240xf32, #tpu.memory_space<vmem_shared>>)
        tpu.yield
      }) : () -> ()
    }
    %scan3A_21 = arith.constant 125 : i32
    %barrier3A_22 = arith.constant 0 : index
    tpu.barrier barrier_id(%barrier3A_22)
    %run_scoped3A = arith.constant 0 : i32
    "tpu.region"() ({
      %run_scoped3A_24 = tpu.sem_alloc : memref<!tpu.dma_semaphore, #tpu.memory_space<semaphore_mem>>
      %dma_start3A = tpu.memref_slice %arg4[%arg0, %run_scoped3A, %mul3A_11] : memref<2x2x10240xf32, #tpu.memory_space<hbm>> -> memref<1x1x640xf32, #tpu.memory_space<hbm>>
      %dma_start3A_25 = tpu.memref_squeeze %dma_start3A : memref<1x1x640xf32, #tpu.memory_space<hbm>> -> memref<640xf32, #tpu.memory_space<hbm>>
      %dma_start3A_26 = tpu.memref_slice %arg8[%mul3A_11] : memref<10240xf32, #tpu.memory_space<vmem_shared>> -> memref<640xf32, #tpu.memory_space<vmem_shared>>
      tpu.enqueue_dma source(%dma_start3A_26 : memref<640xf32, #tpu.memory_space<vmem_shared>>) target(%dma_start3A_25 : memref<640xf32, #tpu.memory_space<hbm>>) target_semaphore(%run_scoped3A_24 : memref<!tpu.dma_semaphore, #tpu.memory_space<semaphore_mem>>)
      %dma_wait3A = tpu.memref_slice %arg4[%arg0, %run_scoped3A, %mul3A_11] : memref<2x2x10240xf32, #tpu.memory_space<hbm>> -> memref<1x1x640xf32, #tpu.memory_space<hbm>>
      %dma_wait3A_27 = tpu.memref_squeeze %dma_wait3A : memref<1x1x640xf32, #tpu.memory_space<hbm>> -> memref<640xf32, #tpu.memory_space<hbm>>
      %dma_wait3A_28 = tpu.memref_slice %arg8[%mul3A_11] : memref<10240xf32, #tpu.memory_space<vmem_shared>> -> memref<640xf32, #tpu.memory_space<vmem_shared>>
      tpu.wait_dma2 semaphore(%run_scoped3A_24 : memref<!tpu.dma_semaphore, #tpu.memory_space<semaphore_mem>>) src(%dma_wait3A_28 : memref<640xf32, #tpu.memory_space<vmem_shared>>) dst(%dma_wait3A_27 : memref<640xf32, #tpu.memory_space<hbm>>)
      tpu.yield
    }) : () -> ()
    %run_scoped3A_23 = arith.constant 1 : i32
    "tpu.region"() ({
      %run_scoped3A_24 = tpu.sem_alloc : memref<!tpu.dma_semaphore, #tpu.memory_space<semaphore_mem>>
      %dma_start3A = tpu.memref_slice %arg4[%arg0, %run_scoped3A_23, %mul3A_11] : memref<2x2x10240xf32, #tpu.memory_space<hbm>> -> memref<1x1x640xf32, #tpu.memory_space<hbm>>
      %dma_start3A_25 = tpu.memref_squeeze %dma_start3A : memref<1x1x640xf32, #tpu.memory_space<hbm>> -> memref<640xf32, #tpu.memory_space<hbm>>
      %dma_start3A_26 = tpu.memref_slice %arg9[%mul3A_11] : memref<10240xf32, #tpu.memory_space<vmem_shared>> -> memref<640xf32, #tpu.memory_space<vmem_shared>>
      tpu.enqueue_dma source(%dma_start3A_26 : memref<640xf32, #tpu.memory_space<vmem_shared>>) target(%dma_start3A_25 : memref<640xf32, #tpu.memory_space<hbm>>) target_semaphore(%run_scoped3A_24 : memref<!tpu.dma_semaphore, #tpu.memory_space<semaphore_mem>>)
      %dma_wait3A = tpu.memref_slice %arg4[%arg0, %run_scoped3A_23, %mul3A_11] : memref<2x2x10240xf32, #tpu.memory_space<hbm>> -> memref<1x1x640xf32, #tpu.memory_space<hbm>>
      %dma_wait3A_27 = tpu.memref_squeeze %dma_wait3A : memref<1x1x640xf32, #tpu.memory_space<hbm>> -> memref<640xf32, #tpu.memory_space<hbm>>
      %dma_wait3A_28 = tpu.memref_slice %arg9[%mul3A_11] : memref<10240xf32, #tpu.memory_space<vmem_shared>> -> memref<640xf32, #tpu.memory_space<vmem_shared>>
      tpu.wait_dma2 semaphore(%run_scoped3A_24 : memref<!tpu.dma_semaphore, #tpu.memory_space<semaphore_mem>>) src(%dma_wait3A_28 : memref<640xf32, #tpu.memory_space<vmem_shared>>) dst(%dma_wait3A_27 : memref<640xf32, #tpu.memory_space<hbm>>)
      tpu.yield
    }) : () -> ()
    return
  }
}

#map = affine_map<(d0, d1) -> (0, 0)>
#map1 = affine_map<(d0, d1) -> (0)>
#map2 = affine_map<(d0, d1) -> (0, 0, 0)>
module attributes {stable_mosaic.version = 14 : i64} {
  func.func @_sc_segsum(%arg0: i32, %arg1: i32, %arg2: memref<10240x64xf32, #tpu.memory_space<hbm>>, %arg3: memref<320000xi32, #tpu.memory_space<hbm>>, %arg4: memref<320000xi32, #tpu.memory_space<hbm>>, %arg5: memref<2x10240x64xf32, #tpu.memory_space<hbm>>, %arg6: memref<80xi32, #tpu.memory_space<vmem>>, %arg7: memref<80xi32, #tpu.memory_space<vmem>>, %arg8: memref<80x64xf32, #tpu.memory_space<vmem>>, %arg9: memref<64x64xf32, #tpu.memory_space<vmem>>, %arg10: memref<10240x64xf32, #tpu.memory_space<vmem_shared>>, %arg11: memref<!tpu.dma_semaphore, #tpu.memory_space<semaphore_mem>>) attributes {dimension_semantics = [#tpu.dimension_semantics<core_parallel>, #tpu.dimension_semantics<subcore_parallel>], iteration_bounds = array<i64: 2, 16>, scalar_prefetch = 0 : i64, scratch_operands = 6 : i64, tpu.core_type = #tpu.core_type<sc_vector_subcore>, window_params = [{transform_indices = #map}, {transform_indices = #map1}, {transform_indices = #map1}, {transform_indices = #map2}]} {
    %scan3A = arith.constant 0 : i32
    %scan3A_0 = arith.constant 0 : i32
    %scan3A_1 = arith.constant 256 : i32
    %scan3A_2 = arith.addi %scan3A_0, %scan3A_1 : i32
    %scan3A_3 = arith.constant 1 : i32
    scf.for %scan3A_23 = %scan3A_0 to %scan3A_2 step %scan3A_3  : i32 {
      %jit3A = arith.constant 4 : i32
      %div3A = arith.divsi %scan3A_23, %jit3A : i32
      %sign3A = arith.constant 0 : i32
      %sign3A_24 = arith.cmpi sgt, %scan3A_23, %sign3A : i32
      %sign3A_25 = arith.extui %sign3A_24 : i1 to i32
      %sign3A_26 = arith.constant 0 : i32
      %sign3A_27 = arith.cmpi slt, %scan3A_23, %sign3A_26 : i32
      %sign3A_28 = arith.extui %sign3A_27 : i1 to i32
      %sign3A_29 = arith.subi %sign3A_25, %sign3A_28 : i32
      %sign3A_30 = arith.constant 0 : i32
      %sign3A_31 = arith.cmpi sgt, %jit3A, %sign3A_30 : i32
      %sign3A_32 = arith.extui %sign3A_31 : i1 to i32
      %sign3A_33 = arith.constant 0 : i32
      %sign3A_34 = arith.cmpi slt, %jit3A, %sign3A_33 : i32
      %sign3A_35 = arith.extui %sign3A_34 : i1 to i32
      %sign3A_36 = arith.subi %sign3A_32, %sign3A_35 : i32
      %ne3A = arith.cmpi ne, %sign3A_29, %sign3A_36 : i32
      %rem3A = arith.remsi %scan3A_23, %jit3A : i32
      %ne3A_37 = arith.constant 0 : i32
      %ne3A_38 = arith.cmpi ne, %rem3A, %ne3A_37 : i32
      %and3A = arith.andi %ne3A, %ne3A_38 : i1
      %sub3A = arith.constant 1 : i32
      %sub3A_39 = arith.subi %div3A, %sub3A : i32
      %select_n3A = arith.select %and3A, %sub3A_39, %div3A : i32
      %jit3A_40 = arith.constant 4 : i32
      %eq3A = arith.constant 0 : i32
      %eq3A_41 = arith.cmpi eq, %jit3A_40, %eq3A : i32
      %jit3A_42 = arith.constant 1 : i32
      %select_n3A_43 = arith.select %eq3A_41, %jit3A_42, %jit3A_40 : i32
      %rem3A_44 = arith.remsi %scan3A_23, %select_n3A_43 : i32
      %ne3A_45 = arith.constant 0 : i32
      %ne3A_46 = arith.cmpi ne, %rem3A_44, %ne3A_45 : i32
      %lt3A = arith.constant 0 : i32
      %lt3A_47 = arith.cmpi slt, %rem3A_44, %lt3A : i32
      %lt3A_48 = arith.constant 0 : i32
      %lt3A_49 = arith.cmpi slt, %select_n3A_43, %lt3A_48 : i32
      %ne3A_50 = arith.xori %lt3A_47, %lt3A_49 : i1
      %and3A_51 = arith.andi %ne3A_50, %ne3A_46 : i1
      %add3A_52 = arith.addi %rem3A_44, %select_n3A_43 : i32
      %select_n3A_53 = arith.select %and3A_51, %add3A_52, %rem3A_44 : i32
      %broadcast_in_dim3A = arith.constant 0.000000e+00 : f32
      %broadcast_in_dim3A_54 = vector.broadcast %broadcast_in_dim3A : f32 to vector<16xf32>
      %mul3A_55 = arith.constant 16 : i32
      %mul3A_56 = arith.muli %select_n3A_53, %mul3A_55 : i32
      %swap3A = arith.index_cast %select_n3A : i32 to index
      %swap3A_57 = arith.index_cast %mul3A_56 : i32 to index
      %swap3A_58 = tpu.vector_load %arg9[%swap3A, %swap3A_57] {strides = array<i32>} : memref<64x64xf32, #tpu.memory_space<vmem>>, vector<1x16xf32>,
      %swap3A_59 = vector.shape_cast %swap3A_58 : vector<1x16xf32> to vector<16xf32>
      %swap3A_60 = vector.shape_cast %broadcast_in_dim3A_54 : vector<16xf32> to vector<1x16xf32>
      tpu.vector_store %arg9[%swap3A, %swap3A_57], %swap3A_60 {strides = array<i32>} : memref<64x64xf32, #tpu.memory_space<vmem>>, vector<1x16xf32>,
    }
    %scan3A_4 = arith.constant 256 : i32
    %mul3A = arith.constant 640 : i32
    %mul3A_5 = arith.muli %arg1, %mul3A : i32
    %scan3A_6 = arith.constant 0 : i32
    %scan3A_7 = arith.constant 0 : i32
    %scan3A_8 = arith.constant 10 : i32
    %scan3A_9 = arith.addi %scan3A_7, %scan3A_8 : i32
    %scan3A_10 = arith.constant 1 : i32
    scf.for %scan3A_23 = %scan3A_7 to %scan3A_9 step %scan3A_10  : i32 {
      %mul3A_24 = arith.constant 64 : i32
      %mul3A_25 = arith.muli %scan3A_23, %mul3A_24 : i32
      %add3A_26 = arith.addi %mul3A_5, %mul3A_25 : i32
      "tpu.region"() ({
        %run_scoped3A = tpu.sem_alloc : memref<!tpu.dma_semaphore, #tpu.memory_space<semaphore_mem>>
        %dma_start3A = arith.constant 0 : i32
        %dma_start3A_27 = tpu.memref_slice %arg10[%add3A_26, %dma_start3A] : memref<10240x64xf32, #tpu.memory_space<vmem_shared>> -> memref<64x64xf32, #tpu.memory_space<vmem_shared>>
        %dma_start3A_28 = arith.constant 0 : i32
        %dma_start3A_29 = tpu.memref_slice %arg10[%add3A_26, %dma_start3A_28] : memref<10240x64xf32, #tpu.memory_space<vmem_shared>> -> memref<64x64xf32, #tpu.memory_space<vmem_shared>>
        tpu.enqueue_dma source(%arg9 : memref<64x64xf32, #tpu.memory_space<vmem>>) target(%dma_start3A_29 : memref<64x64xf32, #tpu.memory_space<vmem_shared>>) target_semaphore(%run_scoped3A : memref<!tpu.dma_semaphore, #tpu.memory_space<semaphore_mem>>)
        %dma_wait3A = arith.constant 0 : i32
        %dma_wait3A_30 = tpu.memref_slice %arg10[%add3A_26, %dma_wait3A] : memref<10240x64xf32, #tpu.memory_space<vmem_shared>> -> memref<64x64xf32, #tpu.memory_space<vmem_shared>>
        %dma_wait3A_31 = arith.constant 0 : i32
        %dma_wait3A_32 = tpu.memref_slice %arg10[%add3A_26, %dma_wait3A_31] : memref<10240x64xf32, #tpu.memory_space<vmem_shared>> -> memref<64x64xf32, #tpu.memory_space<vmem_shared>>
        tpu.wait_dma2 semaphore(%run_scoped3A : memref<!tpu.dma_semaphore, #tpu.memory_space<semaphore_mem>>) src(%arg9 : memref<64x64xf32, #tpu.memory_space<vmem>>) dst(%dma_wait3A_32 : memref<64x64xf32, #tpu.memory_space<vmem_shared>>)
        tpu.yield
      }) : () -> ()
    }
    %scan3A_11 = arith.constant 10 : i32
    %barrier3A = arith.constant 0 : index
    tpu.barrier barrier_id(%barrier3A)
    %mul3A_12 = arith.constant 16 : i32
    %mul3A_13 = arith.muli %arg0, %mul3A_12 : i32
    %add3A = arith.addi %mul3A_13, %arg1 : i32
    %mul3A_14 = arith.constant 10000 : i32
    %mul3A_15 = arith.muli %add3A, %mul3A_14 : i32
    %scan3A_16 = arith.constant 0 : i32
    %scan3A_17 = arith.constant 0 : i32
    %scan3A_18 = arith.constant 125 : i32
    %scan3A_19 = arith.addi %scan3A_17, %scan3A_18 : i32
    %scan3A_20 = arith.constant 1 : i32
    scf.for %scan3A_23 = %scan3A_17 to %scan3A_19 step %scan3A_20  : i32 {
      %mul3A_24 = arith.constant 80 : i32
      %mul3A_25 = arith.muli %scan3A_23, %mul3A_24 : i32
      %add3A_26 = arith.addi %mul3A_15, %mul3A_25 : i32
      "tpu.region"() ({
        %run_scoped3A = tpu.sem_alloc : memref<!tpu.dma_semaphore, #tpu.memory_space<semaphore_mem>>
        %dma_start3A_31 = tpu.memref_slice %arg3[%add3A_26] : memref<320000xi32, #tpu.memory_space<hbm>> -> memref<80xi32, #tpu.memory_space<hbm>>
        %dma_start3A_32 = tpu.memref_slice %arg3[%add3A_26] : memref<320000xi32, #tpu.memory_space<hbm>> -> memref<80xi32, #tpu.memory_space<hbm>>
        tpu.enqueue_dma source(%dma_start3A_32 : memref<80xi32, #tpu.memory_space<hbm>>) target(%arg6 : memref<80xi32, #tpu.memory_space<vmem>>) target_semaphore(%run_scoped3A : memref<!tpu.dma_semaphore, #tpu.memory_space<semaphore_mem>>)
        %dma_wait3A_33 = tpu.memref_slice %arg3[%add3A_26] : memref<320000xi32, #tpu.memory_space<hbm>> -> memref<80xi32, #tpu.memory_space<hbm>>
        %dma_wait3A_34 = tpu.memref_slice %arg3[%add3A_26] : memref<320000xi32, #tpu.memory_space<hbm>> -> memref<80xi32, #tpu.memory_space<hbm>>
        tpu.wait_dma2 semaphore(%run_scoped3A : memref<!tpu.dma_semaphore, #tpu.memory_space<semaphore_mem>>) src(%dma_wait3A_34 : memref<80xi32, #tpu.memory_space<hbm>>) dst(%arg6 : memref<80xi32, #tpu.memory_space<vmem>>)
        tpu.yield
      }) : () -> ()
      "tpu.region"() ({
        %run_scoped3A = tpu.sem_alloc : memref<!tpu.dma_semaphore, #tpu.memory_space<semaphore_mem>>
        %dma_start3A_31 = tpu.memref_slice %arg4[%add3A_26] : memref<320000xi32, #tpu.memory_space<hbm>> -> memref<80xi32, #tpu.memory_space<hbm>>
        %dma_start3A_32 = tpu.memref_slice %arg4[%add3A_26] : memref<320000xi32, #tpu.memory_space<hbm>> -> memref<80xi32, #tpu.memory_space<hbm>>
        tpu.enqueue_dma source(%dma_start3A_32 : memref<80xi32, #tpu.memory_space<hbm>>) target(%arg7 : memref<80xi32, #tpu.memory_space<vmem>>) target_semaphore(%run_scoped3A : memref<!tpu.dma_semaphore, #tpu.memory_space<semaphore_mem>>)
        %dma_wait3A_33 = tpu.memref_slice %arg4[%add3A_26] : memref<320000xi32, #tpu.memory_space<hbm>> -> memref<80xi32, #tpu.memory_space<hbm>>
        %dma_wait3A_34 = tpu.memref_slice %arg4[%add3A_26] : memref<320000xi32, #tpu.memory_space<hbm>> -> memref<80xi32, #tpu.memory_space<hbm>>
        tpu.wait_dma2 semaphore(%run_scoped3A : memref<!tpu.dma_semaphore, #tpu.memory_space<semaphore_mem>>) src(%dma_wait3A_34 : memref<80xi32, #tpu.memory_space<hbm>>) dst(%arg7 : memref<80xi32, #tpu.memory_space<vmem>>)
        tpu.yield
      }) : () -> ()
      %dma_start3A = arith.constant 0 : i32
      %dma_start3A_27 = arith.constant 0 : i32
      %dma_start3A_28 = tpu.memref_slice %arg2[%dma_start3A, %dma_start3A_27] : memref<10240x64xf32, #tpu.memory_space<hbm>> -> memref<10240x64xf32, #tpu.memory_space<hbm>>
      tpu.enqueue_indirect_dma source(%dma_start3A_28 : memref<10240x64xf32, #tpu.memory_space<hbm>>) target(%arg8 : memref<80x64xf32, #tpu.memory_space<vmem>>) offsets(%arg6 : memref<80xi32, #tpu.memory_space<vmem>>) semaphore(%arg11 : memref<!tpu.dma_semaphore, #tpu.memory_space<semaphore_mem>>)
      %dma_wait3A = arith.constant 0 : i32
      %dma_wait3A_29 = arith.constant 0 : i32
      %dma_wait3A_30 = tpu.memref_slice %arg2[%dma_wait3A, %dma_wait3A_29] : memref<10240x64xf32, #tpu.memory_space<hbm>> -> memref<10240x64xf32, #tpu.memory_space<hbm>>
      tpu.wait_indirect_dma semaphore(%arg11 : memref<!tpu.dma_semaphore, #tpu.memory_space<semaphore_mem>>) src(%dma_wait3A_30 : memref<10240x64xf32, #tpu.memory_space<hbm>>) dst(%arg8 : memref<80x64xf32, #tpu.memory_space<vmem>>)
      "tpu.region"() ({
        %run_scoped3A = tpu.sem_alloc : memref<!tpu.dma_semaphore, #tpu.memory_space<semaphore_mem>>
        %dma_start3A_31 = arith.constant 0 : i32
        %dma_start3A_32 = arith.constant 0 : i32
        %dma_start3A_33 = tpu.memref_slice %arg10[%dma_start3A_31, %dma_start3A_32] : memref<10240x64xf32, #tpu.memory_space<vmem_shared>> -> memref<10240x64xf32, #tpu.memory_space<vmem_shared>>
        tpu.enqueue_indirect_dma source(%arg8 : memref<80x64xf32, #tpu.memory_space<vmem>>) target(%dma_start3A_33 : memref<10240x64xf32, #tpu.memory_space<vmem_shared>>) offsets(%arg7 : memref<80xi32, #tpu.memory_space<vmem>>) semaphore(%run_scoped3A : memref<!tpu.dma_semaphore, #tpu.memory_space<semaphore_mem>>) {add = true}
        %dma_wait3A_34 = arith.constant 0 : i32
        %dma_wait3A_35 = arith.constant 0 : i32
        %dma_wait3A_36 = tpu.memref_slice %arg10[%dma_wait3A_34, %dma_wait3A_35] : memref<10240x64xf32, #tpu.memory_space<vmem_shared>> -> memref<10240x64xf32, #tpu.memory_space<vmem_shared>>
        tpu.wait_indirect_dma semaphore(%run_scoped3A : memref<!tpu.dma_semaphore, #tpu.memory_space<semaphore_mem>>) src(%arg8 : memref<80x64xf32, #tpu.memory_space<vmem>>) dst(%dma_wait3A_36 : memref<10240x64xf32, #tpu.memory_space<vmem_shared>>)
        tpu.yield
      }) : () -> ()
    }
    %scan3A_21 = arith.constant 125 : i32
    %barrier3A_22 = arith.constant 0 : index
    tpu.barrier barrier_id(%barrier3A_22)
    "tpu.region"() ({
      %run_scoped3A = tpu.sem_alloc : memref<!tpu.dma_semaphore, #tpu.memory_space<semaphore_mem>>
      %dma_start3A = arith.constant 0 : i32
      %dma_start3A_23 = tpu.memref_slice %arg5[%arg0, %mul3A_5, %dma_start3A] : memref<2x10240x64xf32, #tpu.memory_space<hbm>> -> memref<1x640x64xf32, #tpu.memory_space<hbm>>
      %dma_start3A_24 = tpu.memref_squeeze %dma_start3A_23 : memref<1x640x64xf32, #tpu.memory_space<hbm>> -> memref<640x64xf32, #tpu.memory_space<hbm>>
      %dma_start3A_25 = arith.constant 0 : i32
      %dma_start3A_26 = tpu.memref_slice %arg10[%mul3A_5, %dma_start3A_25] : memref<10240x64xf32, #tpu.memory_space<vmem_shared>> -> memref<640x64xf32, #tpu.memory_space<vmem_shared>>
      tpu.enqueue_dma source(%dma_start3A_26 : memref<640x64xf32, #tpu.memory_space<vmem_shared>>) target(%dma_start3A_24 : memref<640x64xf32, #tpu.memory_space<hbm>>) target_semaphore(%run_scoped3A : memref<!tpu.dma_semaphore, #tpu.memory_space<semaphore_mem>>)
      %dma_wait3A = arith.constant 0 : i32
      %dma_wait3A_27 = tpu.memref_slice %arg5[%arg0, %mul3A_5, %dma_wait3A] : memref<2x10240x64xf32, #tpu.memory_space<hbm>> -> memref<1x640x64xf32, #tpu.memory_space<hbm>>
      %dma_wait3A_28 = tpu.memref_squeeze %dma_wait3A_27 : memref<1x640x64xf32, #tpu.memory_space<hbm>> -> memref<640x64xf32, #tpu.memory_space<hbm>>
      %dma_wait3A_29 = arith.constant 0 : i32
      %dma_wait3A_30 = tpu.memref_slice %arg10[%mul3A_5, %dma_wait3A_29] : memref<10240x64xf32, #tpu.memory_space<vmem_shared>> -> memref<640x64xf32, #tpu.memory_space<vmem_shared>>
      tpu.wait_dma2 semaphore(%run_scoped3A : memref<!tpu.dma_semaphore, #tpu.memory_space<semaphore_mem>>) src(%dma_wait3A_30 : memref<640x64xf32, #tpu.memory_space<vmem_shared>>) dst(%dma_wait3A_28 : memref<640x64xf32, #tpu.memory_space<hbm>>)
      tpu.yield
    }) : () -> ()
    return
  }
}

#map = affine_map<(d0, d1) -> (0, 0)>
#map1 = affine_map<(d0, d1) -> (0)>
#map2 = affine_map<(d0, d1) -> (0, 0, 0)>
module attributes {stable_mosaic.version = 14 : i64} {
  func.func @_sc_segsum(%arg0: i32, %arg1: i32, %arg2: memref<10240x64xf32, #tpu.memory_space<hbm>>, %arg3: memref<320000xi32, #tpu.memory_space<hbm>>, %arg4: memref<320000xi32, #tpu.memory_space<hbm>>, %arg5: memref<2x10240x64xf32, #tpu.memory_space<hbm>>, %arg6: memref<80xi32, #tpu.memory_space<vmem>>, %arg7: memref<80xi32, #tpu.memory_space<vmem>>, %arg8: memref<80x64xf32, #tpu.memory_space<vmem>>, %arg9: memref<64x64xf32, #tpu.memory_space<vmem>>, %arg10: memref<10240x64xf32, #tpu.memory_space<vmem_shared>>, %arg11: memref<!tpu.dma_semaphore, #tpu.memory_space<semaphore_mem>>) attributes {dimension_semantics = [#tpu.dimension_semantics<core_parallel>, #tpu.dimension_semantics<subcore_parallel>], iteration_bounds = array<i64: 2, 16>, scalar_prefetch = 0 : i64, scratch_operands = 6 : i64, tpu.core_type = #tpu.core_type<sc_vector_subcore>, window_params = [{transform_indices = #map}, {transform_indices = #map1}, {transform_indices = #map1}, {transform_indices = #map2}]} {
    %scan3A = arith.constant 0 : i32
    %scan3A_0 = arith.constant 0 : i32
    %scan3A_1 = arith.constant 256 : i32
    %scan3A_2 = arith.addi %scan3A_0, %scan3A_1 : i32
    %scan3A_3 = arith.constant 1 : i32
    scf.for %scan3A_23 = %scan3A_0 to %scan3A_2 step %scan3A_3  : i32 {
      %jit3A = arith.constant 4 : i32
      %div3A = arith.divsi %scan3A_23, %jit3A : i32
      %sign3A = arith.constant 0 : i32
      %sign3A_24 = arith.cmpi sgt, %scan3A_23, %sign3A : i32
      %sign3A_25 = arith.extui %sign3A_24 : i1 to i32
      %sign3A_26 = arith.constant 0 : i32
      %sign3A_27 = arith.cmpi slt, %scan3A_23, %sign3A_26 : i32
      %sign3A_28 = arith.extui %sign3A_27 : i1 to i32
      %sign3A_29 = arith.subi %sign3A_25, %sign3A_28 : i32
      %sign3A_30 = arith.constant 0 : i32
      %sign3A_31 = arith.cmpi sgt, %jit3A, %sign3A_30 : i32
      %sign3A_32 = arith.extui %sign3A_31 : i1 to i32
      %sign3A_33 = arith.constant 0 : i32
      %sign3A_34 = arith.cmpi slt, %jit3A, %sign3A_33 : i32
      %sign3A_35 = arith.extui %sign3A_34 : i1 to i32
      %sign3A_36 = arith.subi %sign3A_32, %sign3A_35 : i32
      %ne3A = arith.cmpi ne, %sign3A_29, %sign3A_36 : i32
      %rem3A = arith.remsi %scan3A_23, %jit3A : i32
      %ne3A_37 = arith.constant 0 : i32
      %ne3A_38 = arith.cmpi ne, %rem3A, %ne3A_37 : i32
      %and3A = arith.andi %ne3A, %ne3A_38 : i1
      %sub3A = arith.constant 1 : i32
      %sub3A_39 = arith.subi %div3A, %sub3A : i32
      %select_n3A = arith.select %and3A, %sub3A_39, %div3A : i32
      %jit3A_40 = arith.constant 4 : i32
      %eq3A = arith.constant 0 : i32
      %eq3A_41 = arith.cmpi eq, %jit3A_40, %eq3A : i32
      %jit3A_42 = arith.constant 1 : i32
      %select_n3A_43 = arith.select %eq3A_41, %jit3A_42, %jit3A_40 : i32
      %rem3A_44 = arith.remsi %scan3A_23, %select_n3A_43 : i32
      %ne3A_45 = arith.constant 0 : i32
      %ne3A_46 = arith.cmpi ne, %rem3A_44, %ne3A_45 : i32
      %lt3A = arith.constant 0 : i32
      %lt3A_47 = arith.cmpi slt, %rem3A_44, %lt3A : i32
      %lt3A_48 = arith.constant 0 : i32
      %lt3A_49 = arith.cmpi slt, %select_n3A_43, %lt3A_48 : i32
      %ne3A_50 = arith.xori %lt3A_47, %lt3A_49 : i1
      %and3A_51 = arith.andi %ne3A_50, %ne3A_46 : i1
      %add3A_52 = arith.addi %rem3A_44, %select_n3A_43 : i32
      %select_n3A_53 = arith.select %and3A_51, %add3A_52, %rem3A_44 : i32
      %broadcast_in_dim3A = arith.constant 0.000000e+00 : f32
      %broadcast_in_dim3A_54 = vector.broadcast %broadcast_in_dim3A : f32 to vector<16xf32>
      %mul3A_55 = arith.constant 16 : i32
      %mul3A_56 = arith.muli %select_n3A_53, %mul3A_55 : i32
      %swap3A = arith.index_cast %select_n3A : i32 to index
      %swap3A_57 = arith.index_cast %mul3A_56 : i32 to index
      %swap3A_58 = tpu.vector_load %arg9[%swap3A, %swap3A_57] {strides = array<i32>} : memref<64x64xf32, #tpu.memory_space<vmem>>, vector<1x16xf32>,
      %swap3A_59 = vector.shape_cast %swap3A_58 : vector<1x16xf32> to vector<16xf32>
      %swap3A_60 = vector.shape_cast %broadcast_in_dim3A_54 : vector<16xf32> to vector<1x16xf32>
      tpu.vector_store %arg9[%swap3A, %swap3A_57], %swap3A_60 {strides = array<i32>} : memref<64x64xf32, #tpu.memory_space<vmem>>, vector<1x16xf32>,
    }
    %scan3A_4 = arith.constant 256 : i32
    %mul3A = arith.constant 640 : i32
    %mul3A_5 = arith.muli %arg1, %mul3A : i32
    %scan3A_6 = arith.constant 0 : i32
    %scan3A_7 = arith.constant 0 : i32
    %scan3A_8 = arith.constant 10 : i32
    %scan3A_9 = arith.addi %scan3A_7, %scan3A_8 : i32
    %scan3A_10 = arith.constant 1 : i32
    scf.for %scan3A_23 = %scan3A_7 to %scan3A_9 step %scan3A_10  : i32 {
      %mul3A_24 = arith.constant 64 : i32
      %mul3A_25 = arith.muli %scan3A_23, %mul3A_24 : i32
      %add3A_26 = arith.addi %mul3A_5, %mul3A_25 : i32
      "tpu.region"() ({
        %run_scoped3A = tpu.sem_alloc : memref<!tpu.dma_semaphore, #tpu.memory_space<semaphore_mem>>
        %dma_start3A = arith.constant 0 : i32
        %dma_start3A_27 = tpu.memref_slice %arg10[%add3A_26, %dma_start3A] : memref<10240x64xf32, #tpu.memory_space<vmem_shared>> -> memref<64x64xf32, #tpu.memory_space<vmem_shared>>
        %dma_start3A_28 = arith.constant 0 : i32
        %dma_start3A_29 = tpu.memref_slice %arg10[%add3A_26, %dma_start3A_28] : memref<10240x64xf32, #tpu.memory_space<vmem_shared>> -> memref<64x64xf32, #tpu.memory_space<vmem_shared>>
        tpu.enqueue_dma source(%arg9 : memref<64x64xf32, #tpu.memory_space<vmem>>) target(%dma_start3A_29 : memref<64x64xf32, #tpu.memory_space<vmem_shared>>) target_semaphore(%run_scoped3A : memref<!tpu.dma_semaphore, #tpu.memory_space<semaphore_mem>>)
        %dma_wait3A = arith.constant 0 : i32
        %dma_wait3A_30 = tpu.memref_slice %arg10[%add3A_26, %dma_wait3A] : memref<10240x64xf32, #tpu.memory_space<vmem_shared>> -> memref<64x64xf32, #tpu.memory_space<vmem_shared>>
        %dma_wait3A_31 = arith.constant 0 : i32
        %dma_wait3A_32 = tpu.memref_slice %arg10[%add3A_26, %dma_wait3A_31] : memref<10240x64xf32, #tpu.memory_space<vmem_shared>> -> memref<64x64xf32, #tpu.memory_space<vmem_shared>>
        tpu.wait_dma2 semaphore(%run_scoped3A : memref<!tpu.dma_semaphore, #tpu.memory_space<semaphore_mem>>) src(%arg9 : memref<64x64xf32, #tpu.memory_space<vmem>>) dst(%dma_wait3A_32 : memref<64x64xf32, #tpu.memory_space<vmem_shared>>)
        tpu.yield
      }) : () -> ()
    }
    %scan3A_11 = arith.constant 10 : i32
    %barrier3A = arith.constant 0 : index
    tpu.barrier barrier_id(%barrier3A)
    %mul3A_12 = arith.constant 16 : i32
    %mul3A_13 = arith.muli %arg0, %mul3A_12 : i32
    %add3A = arith.addi %mul3A_13, %arg1 : i32
    %mul3A_14 = arith.constant 10000 : i32
    %mul3A_15 = arith.muli %add3A, %mul3A_14 : i32
    %scan3A_16 = arith.constant 0 : i32
    %scan3A_17 = arith.constant 0 : i32
    %scan3A_18 = arith.constant 125 : i32
    %scan3A_19 = arith.addi %scan3A_17, %scan3A_18 : i32
    %scan3A_20 = arith.constant 1 : i32
    scf.for %scan3A_23 = %scan3A_17 to %scan3A_19 step %scan3A_20  : i32 {
      %mul3A_24 = arith.constant 80 : i32
      %mul3A_25 = arith.muli %scan3A_23, %mul3A_24 : i32
      %add3A_26 = arith.addi %mul3A_15, %mul3A_25 : i32
      "tpu.region"() ({
        %run_scoped3A = tpu.sem_alloc : memref<!tpu.dma_semaphore, #tpu.memory_space<semaphore_mem>>
        %dma_start3A_31 = tpu.memref_slice %arg3[%add3A_26] : memref<320000xi32, #tpu.memory_space<hbm>> -> memref<80xi32, #tpu.memory_space<hbm>>
        %dma_start3A_32 = tpu.memref_slice %arg3[%add3A_26] : memref<320000xi32, #tpu.memory_space<hbm>> -> memref<80xi32, #tpu.memory_space<hbm>>
        tpu.enqueue_dma source(%dma_start3A_32 : memref<80xi32, #tpu.memory_space<hbm>>) target(%arg6 : memref<80xi32, #tpu.memory_space<vmem>>) target_semaphore(%run_scoped3A : memref<!tpu.dma_semaphore, #tpu.memory_space<semaphore_mem>>)
        %dma_wait3A_33 = tpu.memref_slice %arg3[%add3A_26] : memref<320000xi32, #tpu.memory_space<hbm>> -> memref<80xi32, #tpu.memory_space<hbm>>
        %dma_wait3A_34 = tpu.memref_slice %arg3[%add3A_26] : memref<320000xi32, #tpu.memory_space<hbm>> -> memref<80xi32, #tpu.memory_space<hbm>>
        tpu.wait_dma2 semaphore(%run_scoped3A : memref<!tpu.dma_semaphore, #tpu.memory_space<semaphore_mem>>) src(%dma_wait3A_34 : memref<80xi32, #tpu.memory_space<hbm>>) dst(%arg6 : memref<80xi32, #tpu.memory_space<vmem>>)
        tpu.yield
      }) : () -> ()
      "tpu.region"() ({
        %run_scoped3A = tpu.sem_alloc : memref<!tpu.dma_semaphore, #tpu.memory_space<semaphore_mem>>
        %dma_start3A_31 = tpu.memref_slice %arg4[%add3A_26] : memref<320000xi32, #tpu.memory_space<hbm>> -> memref<80xi32, #tpu.memory_space<hbm>>
        %dma_start3A_32 = tpu.memref_slice %arg4[%add3A_26] : memref<320000xi32, #tpu.memory_space<hbm>> -> memref<80xi32, #tpu.memory_space<hbm>>
        tpu.enqueue_dma source(%dma_start3A_32 : memref<80xi32, #tpu.memory_space<hbm>>) target(%arg7 : memref<80xi32, #tpu.memory_space<vmem>>) target_semaphore(%run_scoped3A : memref<!tpu.dma_semaphore, #tpu.memory_space<semaphore_mem>>)
        %dma_wait3A_33 = tpu.memref_slice %arg4[%add3A_26] : memref<320000xi32, #tpu.memory_space<hbm>> -> memref<80xi32, #tpu.memory_space<hbm>>
        %dma_wait3A_34 = tpu.memref_slice %arg4[%add3A_26] : memref<320000xi32, #tpu.memory_space<hbm>> -> memref<80xi32, #tpu.memory_space<hbm>>
        tpu.wait_dma2 semaphore(%run_scoped3A : memref<!tpu.dma_semaphore, #tpu.memory_space<semaphore_mem>>) src(%dma_wait3A_34 : memref<80xi32, #tpu.memory_space<hbm>>) dst(%arg7 : memref<80xi32, #tpu.memory_space<vmem>>)
        tpu.yield
      }) : () -> ()
      %dma_start3A = arith.constant 0 : i32
      %dma_start3A_27 = arith.constant 0 : i32
      %dma_start3A_28 = tpu.memref_slice %arg2[%dma_start3A, %dma_start3A_27] : memref<10240x64xf32, #tpu.memory_space<hbm>> -> memref<10240x64xf32, #tpu.memory_space<hbm>>
      tpu.enqueue_indirect_dma source(%dma_start3A_28 : memref<10240x64xf32, #tpu.memory_space<hbm>>) target(%arg8 : memref<80x64xf32, #tpu.memory_space<vmem>>) offsets(%arg6 : memref<80xi32, #tpu.memory_space<vmem>>) semaphore(%arg11 : memref<!tpu.dma_semaphore, #tpu.memory_space<semaphore_mem>>)
      %dma_wait3A = arith.constant 0 : i32
      %dma_wait3A_29 = arith.constant 0 : i32
      %dma_wait3A_30 = tpu.memref_slice %arg2[%dma_wait3A, %dma_wait3A_29] : memref<10240x64xf32, #tpu.memory_space<hbm>> -> memref<10240x64xf32, #tpu.memory_space<hbm>>
      tpu.wait_indirect_dma semaphore(%arg11 : memref<!tpu.dma_semaphore, #tpu.memory_space<semaphore_mem>>) src(%dma_wait3A_30 : memref<10240x64xf32, #tpu.memory_space<hbm>>) dst(%arg8 : memref<80x64xf32, #tpu.memory_space<vmem>>)
      "tpu.region"() ({
        %run_scoped3A = tpu.sem_alloc : memref<!tpu.dma_semaphore, #tpu.memory_space<semaphore_mem>>
        %dma_start3A_31 = arith.constant 0 : i32
        %dma_start3A_32 = arith.constant 0 : i32
        %dma_start3A_33 = tpu.memref_slice %arg10[%dma_start3A_31, %dma_start3A_32] : memref<10240x64xf32, #tpu.memory_space<vmem_shared>> -> memref<10240x64xf32, #tpu.memory_space<vmem_shared>>
        tpu.enqueue_indirect_dma source(%arg8 : memref<80x64xf32, #tpu.memory_space<vmem>>) target(%dma_start3A_33 : memref<10240x64xf32, #tpu.memory_space<vmem_shared>>) offsets(%arg7 : memref<80xi32, #tpu.memory_space<vmem>>) semaphore(%run_scoped3A : memref<!tpu.dma_semaphore, #tpu.memory_space<semaphore_mem>>) {add = true}
        %dma_wait3A_34 = arith.constant 0 : i32
        %dma_wait3A_35 = arith.constant 0 : i32
        %dma_wait3A_36 = tpu.memref_slice %arg10[%dma_wait3A_34, %dma_wait3A_35] : memref<10240x64xf32, #tpu.memory_space<vmem_shared>> -> memref<10240x64xf32, #tpu.memory_space<vmem_shared>>
        tpu.wait_indirect_dma semaphore(%run_scoped3A : memref<!tpu.dma_semaphore, #tpu.memory_space<semaphore_mem>>) src(%arg8 : memref<80x64xf32, #tpu.memory_space<vmem>>) dst(%dma_wait3A_36 : memref<10240x64xf32, #tpu.memory_space<vmem_shared>>)
        tpu.yield
      }) : () -> ()
    }
    %scan3A_21 = arith.constant 125 : i32
    %barrier3A_22 = arith.constant 0 : index
    tpu.barrier barrier_id(%barrier3A_22)
    "tpu.region"() ({
      %run_scoped3A = tpu.sem_alloc : memref<!tpu.dma_semaphore, #tpu.memory_space<semaphore_mem>>
      %dma_start3A = arith.constant 0 : i32
      %dma_start3A_23 = tpu.memref_slice %arg5[%arg0, %mul3A_5, %dma_start3A] : memref<2x10240x64xf32, #tpu.memory_space<hbm>> -> memref<1x640x64xf32, #tpu.memory_space<hbm>>
      %dma_start3A_24 = tpu.memref_squeeze %dma_start3A_23 : memref<1x640x64xf32, #tpu.memory_space<hbm>> -> memref<640x64xf32, #tpu.memory_space<hbm>>
      %dma_start3A_25 = arith.constant 0 : i32
      %dma_start3A_26 = tpu.memref_slice %arg10[%mul3A_5, %dma_start3A_25] : memref<10240x64xf32, #tpu.memory_space<vmem_shared>> -> memref<640x64xf32, #tpu.memory_space<vmem_shared>>
      tpu.enqueue_dma source(%dma_start3A_26 : memref<640x64xf32, #tpu.memory_space<vmem_shared>>) target(%dma_start3A_24 : memref<640x64xf32, #tpu.memory_space<hbm>>) target_semaphore(%run_scoped3A : memref<!tpu.dma_semaphore, #tpu.memory_space<semaphore_mem>>)
      %dma_wait3A = arith.constant 0 : i32
      %dma_wait3A_27 = tpu.memref_slice %arg5[%arg0, %mul3A_5, %dma_wait3A] : memref<2x10240x64xf32, #tpu.memory_space<hbm>> -> memref<1x640x64xf32, #tpu.memory_space<hbm>>
      %dma_wait3A_28 = tpu.memref_squeeze %dma_wait3A_27 : memref<1x640x64xf32, #tpu.memory_space<hbm>> -> memref<640x64xf32, #tpu.memory_space<hbm>>
      %dma_wait3A_29 = arith.constant 0 : i32
      %dma_wait3A_30 = tpu.memref_slice %arg10[%mul3A_5, %dma_wait3A_29] : memref<10240x64xf32, #tpu.memory_space<vmem_shared>> -> memref<640x64xf32, #tpu.memory_space<vmem_shared>>
      tpu.wait_dma2 semaphore(%run_scoped3A : memref<!tpu.dma_semaphore, #tpu.memory_space<semaphore_mem>>) src(%dma_wait3A_30 : memref<640x64xf32, #tpu.memory_space<vmem_shared>>) dst(%dma_wait3A_28 : memref<640x64xf32, #tpu.memory_space<hbm>>)
      tpu.yield
    }) : () -> ()
    return
  }
}

module attributes {stable_mosaic.version = 14 : i64} {
  func.func @_tc_norms_body(%arg0: memref<2x2x10240x1xf32, #tpu.memory_space<vmem>>, %arg1: memref<10240x64xf32, #tpu.memory_space<vmem>>, %arg2: memref<10240x1xf32, #tpu.memory_space<vmem>>, %arg3: memref<10240x1xf32, #tpu.memory_space<vmem>>, %arg4: memref<10240x64xf32, #tpu.memory_space<vmem>>) attributes {dimension_semantics = [], scalar_prefetch = 0 : i64, scratch_operands = 0 : i64, tpu.core_type = #tpu.core_type<tc>} {
    %get3A = arith.constant 0 : index
    %get3A_0 = arith.constant 0 : index
    %get3A_1 = arith.constant 0 : index
    %get3A_2 = arith.constant 0 : index
    %get3A_3 = vector.load %arg0[%get3A, %get3A_0, %get3A_1, %get3A_2] : memref<2x2x10240x1xf32, #tpu.memory_space<vmem>>, vector<2x2x10240x1xf32>
    %slice3A = vector.extract_strided_slice %get3A_3 {offsets = [0, 0, 0, 0], sizes = [1, 2, 10240, 1], strides = [1, 1, 1, 1]} : vector<2x2x10240x1xf32> to vector<1x2x10240x1xf32>
    %squeeze3A = vector.shape_cast %slice3A : vector<1x2x10240x1xf32> to vector<2x10240x1xf32>
    %slice3A_4 = vector.extract_strided_slice %get3A_3 {offsets = [1, 0, 0, 0], sizes = [1, 2, 10240, 1], strides = [1, 1, 1, 1]} : vector<2x2x10240x1xf32> to vector<1x2x10240x1xf32>
    %squeeze3A_5 = vector.shape_cast %slice3A_4 : vector<1x2x10240x1xf32> to vector<2x10240x1xf32>
    %add3A = arith.addf %squeeze3A, %squeeze3A_5 : vector<2x10240x1xf32>
    %slice3A_6 = vector.extract_strided_slice %add3A {offsets = [0, 0, 0], sizes = [1, 10240, 1], strides = [1, 1, 1]} : vector<2x10240x1xf32> to vector<1x10240x1xf32>
    %squeeze3A_7 = vector.shape_cast %slice3A_6 : vector<1x10240x1xf32> to vector<10240x1xf32>
    %slice3A_8 = vector.extract_strided_slice %add3A {offsets = [1, 0, 0], sizes = [1, 10240, 1], strides = [1, 1, 1]} : vector<2x10240x1xf32> to vector<1x10240x1xf32>
    %squeeze3A_9 = vector.shape_cast %slice3A_8 : vector<1x10240x1xf32> to vector<10240x1xf32>
    %gt3A = arith.constant 0.000000e+00 : f32
    %gt3A_10 = vector.broadcast %gt3A : f32 to vector<10240x1xf32>
    %gt3A_11 = arith.cmpf ogt, %squeeze3A_7, %gt3A_10 : vector<10240x1xf32>
    %max3A = arith.constant 1.000000e+00 : f32
    %max3A_12 = vector.broadcast %max3A : f32 to vector<10240x1xf32>
    %max3A_13 = arith.maximumf %squeeze3A_7, %max3A_12 : vector<10240x1xf32>
    %rsqrt3A = math.rsqrt %max3A_13 : vector<10240x1xf32>
    %jit3A = arith.constant 0.000000e+00 : f32
    %broadcast_in_dim3A = vector.broadcast %jit3A : f32 to vector<10240x1xf32>
    %select_n3A = arith.select %gt3A_11, %rsqrt3A, %broadcast_in_dim3A : vector<10240x1xi1>, vector<10240x1xf32>
    %gt3A_14 = arith.constant 0.000000e+00 : f32
    %gt3A_15 = vector.broadcast %gt3A_14 : f32 to vector<10240x1xf32>
    %gt3A_16 = arith.cmpf ogt, %squeeze3A_9, %gt3A_15 : vector<10240x1xf32>
    %max3A_17 = arith.constant 1.000000e+00 : f32
    %max3A_18 = vector.broadcast %max3A_17 : f32 to vector<10240x1xf32>
    %max3A_19 = arith.maximumf %squeeze3A_9, %max3A_18 : vector<10240x1xf32>
    %rsqrt3A_20 = math.rsqrt %max3A_19 : vector<10240x1xf32>
    %jit3A_21 = arith.constant 0.000000e+00 : f32
    %broadcast_in_dim3A_22 = vector.broadcast %jit3A_21 : f32 to vector<10240x1xf32>
    %select_n3A_23 = arith.select %gt3A_16, %rsqrt3A_20, %broadcast_in_dim3A_22 : vector<10240x1xi1>, vector<10240x1xf32>
    %swap3A = arith.constant 0 : index
    %swap3A_24 = arith.constant 0 : index
    %swap3A_25 = vector.load %arg2[%swap3A, %swap3A_24] : memref<10240x1xf32, #tpu.memory_space<vmem>>, vector<10240x1xf32>
    tpu.vector_store %arg2[%swap3A, %swap3A_24], %select_n3A {strides = array<i32>} : memref<10240x1xf32, #tpu.memory_space<vmem>>, vector<10240x1xf32>,
    %swap3A_26 = arith.constant 0 : index
    %swap3A_27 = arith.constant 0 : index
    %swap3A_28 = vector.load %arg3[%swap3A_26, %swap3A_27] : memref<10240x1xf32, #tpu.memory_space<vmem>>, vector<10240x1xf32>
    tpu.vector_store %arg3[%swap3A_26, %swap3A_27], %select_n3A_23 {strides = array<i32>} : memref<10240x1xf32, #tpu.memory_space<vmem>>, vector<10240x1xf32>,
    %get3A_29 = arith.constant 0 : index
    %get3A_30 = arith.constant 0 : index
    %get3A_31 = vector.load %arg1[%get3A_29, %get3A_30] : memref<10240x64xf32, #tpu.memory_space<vmem>>, vector<10240x64xf32>
    %mul3A = vector.broadcast %select_n3A : vector<10240x1xf32> to vector<10240x64xf32>
    %mul3A_32 = arith.mulf %get3A_31, %mul3A : vector<10240x64xf32>
    %swap3A_33 = arith.constant 0 : index
    %swap3A_34 = arith.constant 0 : index
    %swap3A_35 = vector.load %arg4[%swap3A_33, %swap3A_34] : memref<10240x64xf32, #tpu.memory_space<vmem>>, vector<10240x64xf32>
    tpu.vector_store %arg4[%swap3A_33, %swap3A_34], %mul3A_32 {strides = array<i32>} : memref<10240x64xf32, #tpu.memory_space<vmem>>, vector<10240x64xf32>,
    return
  }
}

module attributes {stable_mosaic.version = 14 : i64} {
  func.func @_tc_ep1_body(%arg0: memref<2x10240x64xf32, #tpu.memory_space<vmem>>, %arg1: memref<10240x1xf32, #tpu.memory_space<vmem>>, %arg2: memref<10240x1xf32, #tpu.memory_space<vmem>>, %arg3: memref<10240x64xf32, #tpu.memory_space<vmem>>, %arg4: memref<64x64xf32, #tpu.memory_space<vmem>>, %arg5: memref<64xf32, #tpu.memory_space<vmem>>, %arg6: memref<10240x64xf32, #tpu.memory_space<vmem>>, %arg7: memref<10240x64xf32, #tpu.memory_space<vmem>>) attributes {dimension_semantics = [], scalar_prefetch = 0 : i64, scratch_operands = 0 : i64, tpu.core_type = #tpu.core_type<tc>} {
    %get3A = arith.constant 0 : index
    %get3A_0 = arith.constant 0 : index
    %get3A_1 = arith.constant 0 : index
    %get3A_2 = vector.load %arg0[%get3A, %get3A_0, %get3A_1] : memref<2x10240x64xf32, #tpu.memory_space<vmem>>, vector<1x10240x64xf32>
    %get3A_3 = vector.shape_cast %get3A_2 : vector<1x10240x64xf32> to vector<10240x64xf32>
    %get3A_4 = arith.constant 1 : index
    %get3A_5 = arith.constant 0 : index
    %get3A_6 = arith.constant 0 : index
    %get3A_7 = vector.load %arg0[%get3A_4, %get3A_5, %get3A_6] : memref<2x10240x64xf32, #tpu.memory_space<vmem>>, vector<1x10240x64xf32>
    %get3A_8 = vector.shape_cast %get3A_7 : vector<1x10240x64xf32> to vector<10240x64xf32>
    %add3A = arith.addf %get3A_3, %get3A_8 : vector<10240x64xf32>
    %get3A_9 = arith.constant 0 : index
    %get3A_10 = arith.constant 0 : index
    %get3A_11 = vector.load %arg1[%get3A_9, %get3A_10] : memref<10240x1xf32, #tpu.memory_space<vmem>>, vector<10240x1xf32>
    %mul3A = vector.broadcast %get3A_11 : vector<10240x1xf32> to vector<10240x64xf32>
    %mul3A_12 = arith.mulf %add3A, %mul3A : vector<10240x64xf32>
    %get3A_13 = arith.constant 0 : index
    %get3A_14 = arith.constant 0 : index
    %get3A_15 = vector.load %arg3[%get3A_13, %get3A_14] : memref<10240x64xf32, #tpu.memory_space<vmem>>, vector<10240x64xf32>
    %get3A_16 = arith.constant 0 : index
    %get3A_17 = vector.load %arg5[%get3A_16] : memref<64xf32, #tpu.memory_space<vmem>>, vector<64xf32>
    %broadcast_in_dim3A = vector.shape_cast %get3A_17 : vector<64xf32> to vector<1x64xf32>
    %add3A_18 = vector.broadcast %broadcast_in_dim3A : vector<1x64xf32> to vector<10240x64xf32>
    %add3A_19 = arith.addf %get3A_15, %add3A_18 : vector<10240x64xf32>
    %get3A_20 = arith.constant 0 : index
    %get3A_21 = arith.constant 0 : index
    %get3A_22 = vector.load %arg4[%get3A_20, %get3A_21] : memref<64x64xf32, #tpu.memory_space<vmem>>, vector<64x64xf32>
    %dot_general3A = arith.constant dense<0.000000e+00> : vector<10240x64xf32>
    %dot_general3A_23 = tpu.matmul %mul3A_12, %get3A_22, %dot_general3A {dimension_numbers = #tpu.dot_dimension_numbers<[1], [0], [0], [1], [0, 0, 1, 1], [], []>, transpose_lhs_hint = false} : vector<10240x64xf32>, vector<64x64xf32>, vector<10240x64xf32> -> vector<10240x64xf32>
    %add3A_24 = arith.addf %add3A_19, %dot_general3A_23 : vector<10240x64xf32>
    %swap3A = arith.constant 0 : index
    %swap3A_25 = arith.constant 0 : index
    %swap3A_26 = vector.load %arg6[%swap3A, %swap3A_25] : memref<10240x64xf32, #tpu.memory_space<vmem>>, vector<10240x64xf32>
    tpu.vector_store %arg6[%swap3A, %swap3A_25], %add3A_24 {strides = array<i32>} : memref<10240x64xf32, #tpu.memory_space<vmem>>, vector<10240x64xf32>,
    %get3A_27 = arith.constant 0 : index
    %get3A_28 = arith.constant 0 : index
    %get3A_29 = vector.load %arg2[%get3A_27, %get3A_28] : memref<10240x1xf32, #tpu.memory_space<vmem>>, vector<10240x1xf32>
    %mul3A_30 = vector.broadcast %get3A_29 : vector<10240x1xf32> to vector<10240x64xf32>
    %mul3A_31 = arith.mulf %add3A_24, %mul3A_30 : vector<10240x64xf32>
    %swap3A_32 = arith.constant 0 : index
    %swap3A_33 = arith.constant 0 : index
    %swap3A_34 = vector.load %arg7[%swap3A_32, %swap3A_33] : memref<10240x64xf32, #tpu.memory_space<vmem>>, vector<10240x64xf32>
    tpu.vector_store %arg7[%swap3A_32, %swap3A_33], %mul3A_31 {strides = array<i32>} : memref<10240x64xf32, #tpu.memory_space<vmem>>, vector<10240x64xf32>,
    return
  }
}

module attributes {stable_mosaic.version = 14 : i64} {
  func.func @_tc_ep2_body(%arg0: memref<2x10240x64xf32, #tpu.memory_space<vmem>>, %arg1: memref<10240x1xf32, #tpu.memory_space<vmem>>, %arg2: memref<10240x64xf32, #tpu.memory_space<vmem>>, %arg3: memref<10240x64xf32, #tpu.memory_space<vmem>>, %arg4: memref<64x64xf32, #tpu.memory_space<vmem>>, %arg5: memref<64xf32, #tpu.memory_space<vmem>>, %arg6: memref<10240x128xf32, #tpu.memory_space<vmem>>) attributes {dimension_semantics = [], scalar_prefetch = 0 : i64, scratch_operands = 0 : i64, tpu.core_type = #tpu.core_type<tc>} {
    %get3A = arith.constant 0 : index
    %get3A_0 = arith.constant 0 : index
    %get3A_1 = arith.constant 0 : index
    %get3A_2 = vector.load %arg0[%get3A, %get3A_0, %get3A_1] : memref<2x10240x64xf32, #tpu.memory_space<vmem>>, vector<1x10240x64xf32>
    %get3A_3 = vector.shape_cast %get3A_2 : vector<1x10240x64xf32> to vector<10240x64xf32>
    %get3A_4 = arith.constant 1 : index
    %get3A_5 = arith.constant 0 : index
    %get3A_6 = arith.constant 0 : index
    %get3A_7 = vector.load %arg0[%get3A_4, %get3A_5, %get3A_6] : memref<2x10240x64xf32, #tpu.memory_space<vmem>>, vector<1x10240x64xf32>
    %get3A_8 = vector.shape_cast %get3A_7 : vector<1x10240x64xf32> to vector<10240x64xf32>
    %add3A = arith.addf %get3A_3, %get3A_8 : vector<10240x64xf32>
    %get3A_9 = arith.constant 0 : index
    %get3A_10 = arith.constant 0 : index
    %get3A_11 = vector.load %arg1[%get3A_9, %get3A_10] : memref<10240x1xf32, #tpu.memory_space<vmem>>, vector<10240x1xf32>
    %mul3A = vector.broadcast %get3A_11 : vector<10240x1xf32> to vector<10240x64xf32>
    %mul3A_12 = arith.mulf %add3A, %mul3A : vector<10240x64xf32>
    %get3A_13 = arith.constant 0 : index
    %get3A_14 = arith.constant 0 : index
    %get3A_15 = vector.load %arg2[%get3A_13, %get3A_14] : memref<10240x64xf32, #tpu.memory_space<vmem>>, vector<10240x64xf32>
    %get3A_16 = arith.constant 0 : index
    %get3A_17 = vector.load %arg5[%get3A_16] : memref<64xf32, #tpu.memory_space<vmem>>, vector<64xf32>
    %broadcast_in_dim3A = vector.shape_cast %get3A_17 : vector<64xf32> to vector<1x64xf32>
    %add3A_18 = vector.broadcast %broadcast_in_dim3A : vector<1x64xf32> to vector<10240x64xf32>
    %add3A_19 = arith.addf %get3A_15, %add3A_18 : vector<10240x64xf32>
    %get3A_20 = arith.constant 0 : index
    %get3A_21 = arith.constant 0 : index
    %get3A_22 = vector.load %arg4[%get3A_20, %get3A_21] : memref<64x64xf32, #tpu.memory_space<vmem>>, vector<64x64xf32>
    %dot_general3A = arith.constant dense<0.000000e+00> : vector<10240x64xf32>
    %dot_general3A_23 = tpu.matmul %mul3A_12, %get3A_22, %dot_general3A {dimension_numbers = #tpu.dot_dimension_numbers<[1], [0], [0], [1], [0, 0, 1, 1], [], []>, transpose_lhs_hint = false} : vector<10240x64xf32>, vector<64x64xf32>, vector<10240x64xf32> -> vector<10240x64xf32>
    %add3A_24 = arith.addf %add3A_19, %dot_general3A_23 : vector<10240x64xf32>
    %get3A_25 = arith.constant 0 : index
    %get3A_26 = arith.constant 0 : index
    %get3A_27 = vector.load %arg3[%get3A_25, %get3A_26] : memref<10240x64xf32, #tpu.memory_space<vmem>>, vector<10240x64xf32>
    %swap3A = arith.constant 0 : index
    %swap3A_28 = arith.constant 0 : index
    %swap3A_29 = vector.load %arg6[%swap3A, %swap3A_28] : memref<10240x128xf32, #tpu.memory_space<vmem>>, vector<10240x64xf32>
    tpu.vector_store %arg6[%swap3A, %swap3A_28], %get3A_27 {strides = array<i32>} : memref<10240x128xf32, #tpu.memory_space<vmem>>, vector<10240x64xf32>,
    %swap3A_30 = arith.constant 0 : index
    %swap3A_31 = arith.constant 64 : index
    %swap3A_32 = vector.load %arg6[%swap3A_30, %swap3A_31] : memref<10240x128xf32, #tpu.memory_space<vmem>>, vector<10240x64xf32>
    tpu.vector_store %arg6[%swap3A_30, %swap3A_31], %add3A_24 {strides = array<i32>} : memref<10240x128xf32, #tpu.memory_space<vmem>>, vector<10240x64xf32>,
    return
  }
}

</mosaic_0001>

<sc_bundles>
// kernel: kernel.11.cloned.1.call-start
scs
__scs_entry_jumppad:
0x0: {  	(pc) =	sbr.rel $0x88, $3  }
0x1: {  	(tag) =	ssettag $0x0;
	lr =	simm.s32 $0x1  }
0x2: {  	[smem:$0x3F9B] =	sst lr;
	_ =	strace $0xD0000000  }
0x3: {  	_ = 	snop  }
0x4: {  	_ = 	snop  }
0x5: {  	_ = 	snop  }
0x6: {  	_ = 	snop  }
0x7: {  	_ = 	snop  }
__scs_overlays_trampoline_lowered:
0x8: {  	[smem:$0x3FAA] =	sst s0  }
0x9: {  	[smem:$0x3FAB] =	sst s1  }
0xa: {  	[smem:$0x3FAC] =	sst s2  }
0xb: {  	[smem:$0x3FAD] =	sst s3  }
0xc: {  	[smem:$0x3FAE] =	sst s4  }
0xd: {  	[smem:$0x3FAF] =	sst s5  }
0xe: {  	[smem:$0x3FB0] =	sst s6  }
0xf: {  	[smem:$0x3FB1] =	sst s7  }
0x10: {  	[smem:$0x3FB2] =	sst s8  }
0x11: {  	[smem:$0x3FB3] =	sst s9;
	s0 =	simm.s32 @!p0 $0x0  }
0x12: {  	s1 =	sld [smem:$0x3F99];
	s0 =	simm.s32 @p0 $0x1  }
0x13: {  	[smem:$0x3FB4] =	sst s0;
	s0 =	simm.s32 @!p1 $0x0  }
0x14: {  	s2 =	sld [smem:$0x3F98];
	s0 =	simm.s32 @p1 $0x1  }
0x15: {  	[smem:$0x3FB5] =	sst s0;
	s0 =	simm.s32 @!p2 $0x0  }
0x16: {  	s3 =	sld [smem:$0x3FDB];
	s0 =	simm.s32 @p2 $0x1  }
0x17: {  	s4 =	simm.s32 $0x1BF5;
	[smem:$0x3FB7] =	sst s0  }
0x18: {  	s0 =	sld [smem:$0x3F9A];
	_ =	swait.ge [sflag:s4], $0x0  }
0x19: {  	s7 =	sld [smem:$0x3F9B]  }
0x1a: {  	s8 =	sadd.s32 $0xFFFFE003, lr  }
0x1b: {  	s9 =	sadd.s32 $0xFFFFFEF7, lr;
	s5 =	simm.s32 $0xFFFFFFFF;
	p2 =	slt.u32 s8, $0xFFFFF086  }
0x1c: {  	p1 =	slt.u32 s9, $0xF7A;
	s5 =	simm.s32 @!p2 $0x0  }
0x1d: {  	s5 =	simm.s32 @p1 $0x1;
	p0 =	seq.s32 s7, s2  }
0x1e: {  	s7 =	smul.u32 @!p0 $0xF7A, s2;
	p2 =	seq.s32 @!p0 s5, $0x0  }
0x1f: {  	s9 =	smul.u32 $0xF7A, s1;
	s8 =	simm.s32 @!p0 $0x1BF5;
	p2 =	por !p2, p0  }
0x20: {  	[sflag:s8] =	ssyncset.s32 @!p0 $0xFFFFF086;
	s6 =	sadd.s32 @!p0 s3, s7;
	s7 =	simm.s32 @!p0 $0x108  }
0x21: {  	s3 =	sadd.s32 s3, s9;
	s6 =	sadd.s32 @!p0 $0x88, s6;
	s7 =	simm.s32 @p2 $0x1082  }
0x22: {  	[simem:s7], [sflag:s8] =	dma.local @!p0 [hbm:s6], $0xF7A  }
0x23: {  	s9 =	sor.u32 $0xD0000000, s2;
	s6 =	simm.s32 $0x108;
	_ =	swait.ge @!p0 [sflag:s8], $0x0  }
0x24: {  	s3 =	sadd.s32 $0x88, s3;
	s6 =	simm.s32 @!p1 $0x1082;
	[sflag:s4] =	ssyncset.s32 $0xFFFFF086  }
0x25: {  	[simem:s6], [sflag:s4] =	dma.local [hbm:s3], $0xF7A  }
0x26: {  	[smem:$0x3F9B] =	sst s1;
	(tag) =	ssettag s2;
	_ =	strace s9  }
0x27: {  	s1 =	sld [smem:$0x3FAB]  }
0x28: {  	s2 =	sld [smem:$0x3FAC]  }
0x29: {  	s4 =	sld [smem:$0x3FAE]  }
0x2a: {  	p0 =	seq.s32 s5, $0x0;
	s5 =	sld [smem:$0x3FAF]  }
0x2b: {  	s6 =	sld [smem:$0x3FB0]  }
0x2c: {  	s7 =	sld [smem:$0x3FB1]  }
0x2d: {  	s3 =	simm.s32 $0x108;
	s8 =	sld [smem:$0x3FB2]  }
0x2e: {  	s3 =	simm.s32 @!p0 $0x1082;
	s9 =	sld [smem:$0x3FB3]  }
0x2f: {  	lr =	sadd.s32 s0, s3;
	s0 =	sld [smem:$0x3FAA]  }
0x30: {  	s3 =	sld [smem:$0x3FAD]  }
0x31: {  	[smem:$0x3FB6] =	sst s10  }
0x32: {  	s10 =	sld [smem:$0x3FB4];
	_ =	sdelay $0x3  }
0x33: {  	p0 =	seq.s32 s10, $0x1;
	s10 =	sld [smem:$0x3FB6];
	_ =	sdelay $0x3  }
0x34: {  	[smem:$0x3FB6] =	sst s10  }
0x35: {  	s10 =	sld [smem:$0x3FB5];
	_ =	sdelay $0x3  }
0x36: {  	p1 =	seq.s32 s10, $0x1;
	s10 =	sld [smem:$0x3FB6];
	_ =	sdelay $0x3  }
0x37: {  	[smem:$0x3FB6] =	sst s10  }
0x38: {  	s10 =	sld [smem:$0x3FB7]  }
0x39: {  	_ = 	snop;
	(pc) =	sbr.ind lr, $3  }
0x3a: {  	_ = 	snop  }
0x3b: {  	_ = 	snop  }
0x3c: {  	p2 =	seq.s32 s10, $0x1;
	s10 =	sld [smem:$0x3FB6]  }
0x3d: {  	_ =	shalt  }
0x3e: {  	_ =	shalt  }
0x3f: {  	_ =	shalt  }
0x40: {  	_ =	shalt  }
0x41: {  	_ =	shalt  }
0x42: {  	_ =	shalt  }
0x43: {  	_ =	shalt  }
0x44: {  	_ =	shalt  }
0x45: {  	_ =	shalt  }
0x46: {  	_ =	shalt  }
0x47: {  	_ =	shalt  }
0x48: {  	_ =	shalt  }
0x49: {  	_ =	shalt  }
0x4a: {  	_ =	shalt  }
0x4b: {  	_ =	shalt  }
0x4c: {  	_ =	shalt  }
0x4d: {  	_ =	shalt  }
0x4e: {  	_ =	shalt  }
0x4f: {  	_ =	shalt  }
0x50: {  	_ =	shalt  }
0x51: {  	_ =	shalt  }
0x52: {  	_ =	shalt  }
0x53: {  	_ =	shalt  }
0x54: {  	_ =	shalt  }
0x55: {  	_ =	shalt  }
0x56: {  	_ =	shalt  }
0x57: {  	_ =	shalt  }
0x58: {  	_ =	shalt  }
0x59: {  	_ =	shalt  }
0x5a: {  	_ =	shalt  }
0x5b: {  	_ =	shalt  }
0x5c: {  	_ =	shalt  }
0x5d: {  	_ =	shalt  }
0x5e: {  	_ =	shalt  }
0x5f: {  	_ =	shalt  }
0x60: {  	_ =	shalt  }
0x61: {  	_ =	shalt  }
0x62: {  	_ =	shalt  }
0x63: {  	_ =	shalt  }
0x64: {  	_ =	shalt  }
0x65: {  	_ =	shalt  }
0x66: {  	_ =	shalt  }
0x67: {  	_ =	shalt  }
0x68: {  	_ =	shalt  }
0x69: {  	_ =	shalt  }
0x6a: {  	_ =	shalt  }
0x6b: {  	_ =	shalt  }
0x6c: {  	_ =	shalt  }
0x6d: {  	_ =	shalt  }
0x6e: {  	_ =	shalt  }
0x6f: {  	_ =	shalt  }
0x70: {  	_ =	shalt  }
0x71: {  	_ =	shalt  }
0x72: {  	_ =	shalt  }
0x73: {  	_ =	shalt  }
0x74: {  	_ =	shalt  }
0x75: {  	_ =	shalt  }
0x76: {  	_ =	shalt  }
0x77: {  	_ =	shalt  }
0x78: {  	_ =	shalt  }
0x79: {  	_ =	shalt  }
0x7a: {  	_ =	shalt  }
0x7b: {  	_ =	shalt  }
0x7c: {  	_ =	shalt  }
0x7d: {  	_ =	shalt  }
0x7e: {  	_ =	shalt  }
0x7f: {  	_ =	shalt  }
0x80: {  	_ =	shalt  }
0x81: {  	_ =	shalt  }
0x82: {  	_ =	shalt  }
0x83: {  	_ =	shalt  }
0x84: {  	_ =	shalt  }
0x85: {  	_ =	shalt  }
0x86: {  	_ =	shalt  }
0x87: {  	_ =	shalt  }
.Lfunc_end0:
.L_simem_size_0:
called_computation.1_lowered:
.L_overlay_start_0:
0x88: {  	s2 =	sld [smem:$0x3FD9]  }
0x89: {  	s3 =	sld [smem:$0x3FFE];
	_ =	sdelay $0x1  }
0x8a: {  	s1 =	srdreg.scid  }
0x8b: {  	s0 =	sand.u32 $0x1, s1  }
0x8c: {  	s17 =	sshll.u32 s0, $0xA;
	s2 =	sadd.s32 s3, s2  }
0x8d: {  	s2 =	sadd.s32 s2, s17  }
0x8e: {  	[smem:$0x3FC2] =	sst s2  }
0x8f: {  	_ = 	snop  }
0x90: {  	s2 =	sld [smem:$0x3FD0];
	(tm) =	ssettm $0x1  }
0x91: {  	s18 =	sld [smem:$0x3FFB];
	_ =	sdelay $0x3  }
0x92: {  	_ =	strace s18  }
0x93: {  	s3 =	sld [smem:$0x3FFC];
	_ =	sdelay $0x3  }
0x94: {  	_ =	strace s3  }
0x95: {  	s3 =	sld [smem:$0x3FFD];
	_ =	sdelay $0x3  }
0x96: {  	_ =	strace s3  }
0x97: {  	_ =	strace $0x8FFFFFFF  }
0x98: {  	s19 =	sld [smem:$0x3FDB];
	_ =	sdelay $0x1  }
0x99: {  	s4 =	simm.s32 $_scs_section_size  }
0x9a: {  	s5 =	simm.s32 $_size__tile_overlayer_lowered;
	s6 =	simm.s32 $_tile_overlayer_lowered  }
0x9b: {  	s22 =	simm.s32 $0x1BFF;
	s21 =	sshll.u32 s6, $0x1;
	s3 =	sadd.s32 s4, s19  }
0x9c: {  	s7 =	simm.s32 $0x0;
	s20 =	sshll.u32 s5, $0x1;
	s5 =	sadd.s32 s21, s3  }
0x9d: {  	[timem:s7], [sflag:s22] =	dma.local [hbm:s5], s20  }
0x9e: {  	_ =	swait.ge [sflag:s22], s20  }
0x9f: {  	s4 =	ssub.s32 $0x0, s20;
	[sflag:s22] =	ssyncset.done $0x0  }
0xa0: {  	[sflag:s22] =	ssyncadd.s32 s4;
	_ =	sdelay $0x1  }
0xa1: {  	s23 =	simm.s32 $0x1B8B  }
0xa2: {  	_ =	swait.ge [sflag:s23], $0x1  }
0xa3: {  	[sflag:s23] =	ssyncset.done $0x0  }
0xa4: {  	s25 =	simm.s32 $0x1B8E;
	s24 =	sld [smem:$0x3FFE];
	[sflag:s23] =	ssyncadd.s32 $0xFFFFFFFF  }
0xa5: {  	s26 =	simm.s32 $execute0_lowered;
	[smem:$0x3FD2] =	sst s25  }
0xa6: {  	s5 =	sshll.u32 s26, $0x1;
	_ =	strace $0x80000049;
	[dreg:$0x1] =	wrdreg $0xFFFFFFFF  }
0xa7: {  	s28 =	simm.s32 $_size_execute0_lowered;
	s3 =	sadd.s32 s3, s5;
	[dreg:$0x0] =	wrdreg $0x0  }
0xa8: {  	s5 =	sshll.u32 s28, $0x1;
	[dreg:$0x2] =	wrdreg s3  }
0xa9: {  	[dreg:$0x3] =	wrdreg s5  }
0xaa: {  	[dreg:$0x4] =	wrdreg $0xC0  }
0xab: {  	_ =	task [dreg:s7], $0x5FFFF  }
0xac: {  	[dreg:$0x1] =	wrdreg $0xFFFFFFFF  }
0xad: {  	[dreg:$0x0] =	wrdreg $0x60  }
0xae: {  	[dreg:$0x2] =	wrdreg s2  }
0xaf: {  	[dreg:$0x3] =	wrdreg s24  }
0xb0: {  	[dreg:$0x4] =	wrdreg $0x24A00  }
0xb1: {  	[dreg:$0x5] =	wrdreg $0x9  }
0xb2: {  	_ =	task.clear_ibuf [dreg:s7], $0x6FFFF;
	_ =	strace $0x90000049  }
0xb3: {  	s29 =	simm.s32 $0x9;
	_ =	strace $0x8000004B  }
0xb4: {  	_ =	swait.ge [sflag:s29], $0x1  }
0xb5: {  	[sflag:s29] =	ssyncadd.s32 $0xFFFFFFFF  }
0xb6: {  	_ =	strace $0x9000004B  }
0xb7: {  	_ =	sfence  }
0xb8: {  	s30 =	sld [smem:$0x0];
	_ =	sdelay $0x2  }
0xb9: {  	s31 =	sshll.u32 s1, $0xD;
	s1 =	sshrl.u32 s1, $0x2  }
0xba: {  	s3 =	sand.u32 $0x4000, s31;
	s1 =	sadd.s32 s1, s30  }
0xbb: {  	s0 =	sor.u32 s3, s0;
	s1 =	sshll.u32 s1, $0x11  }
0xbc: {  	s0 =	sor.u32 s1, s0  }
0xbd: {  	s0 =	sadd.s32 $0x8F2B, s0  }
0xbe: {  	[sflag:s0] =	ssyncadd.remote.s32 $0x1  }
0xbf: {  	_ =	sfence.sel $0xFFFF  }
0xc0: {  	[dreg:$0x0] =	wrdreg $0xFFFFFFFF;
	(pc) =	sbr.abs _section_cstart, $3  }
0xc1: {  	[dreg:$0x1] =	wrdreg $0xFFFFFFFF  }
0xc2: {  	_ =	task.clear_ibuf [dreg:s7], $0x2FFFF;
	_ =	strace $0x9FFFFFFF  }
0xc3: {  	(tm) =	ssettm $0x7FFFFFFF  }
tec
execute0_lowered:
.L_overlay_start_1:
0x0: {  	(tag) =	ssettag $0x1  }
0x1: {  	s1 =	rddreg [dreg:$0x0]  }
0x2: {  	s5 =	rddreg [dreg:$0x1]  }
0x3: {  	s0 =	srdreg.scid;
	s3 =	rddreg [dreg:$0x2]  }
0x4: {  	s2 =	rddreg [dreg:$0x3];
	s6 =	sand.u32 $0x1, s0  }
0x5: {  	s0 =	stileid.u32;
	s7 =	smul.u32 $0x27100, s6  }
0x6: {  	s4 =	simm.s32 $0x0;
	s19 =	simm.s32 $0x14A0;
	s8 =	smul.u32 $0x2710, s0  }
0x7: {  	s20 =	simm.s32 $0x2;
	s21 =	simm.s32 $0x50;
	s9 =	smul.u32 $0xA0000, s6  }
0x8: {  	s22 =	simm.s32 $0xA0;
	s23 =	simm.s32 $0x1;
	s29 =	smul.u32 $0xA000, s0  }
0x9: {  	[smem:$0x7FF] =	sst s4;
	s10 =	smul.u32 $0x28000, s0;
	s6 =	ssub.s32 $0x2, s6  }
0xa: {  	s25 =	simm.s32 $0x0;
	_ =	strace $0x8000004A;
	s31 =	sshrl.u32 s6, $0x1  }
0xb: {  	s7 =	sadd.s32 s8, s7;
	s30 =	sadd.s32 s29, s9;
	s10 =	sshrl.u32 s10, $0x2  }
0xc: {  	s9 =	ssub.s32 s6, s31;
	s24 =	sadd.s32 s29, s3;
	s7 =	sshrl.u32 s7, $0x3  }
0xd: {  	s24 =	sshrl.u32 s24, $0x3;
	s18 =	sadd.s32 s7, s5;
	s7 =	sshrl.u32 s30, $0x3  }
0xe: {  	s7 =	sadd.s32 s7, s5;
	s5 =	sadd.s32 s10, s3;
	s17 =	sadd.s32 $0x1A00, s18  }
0xf: {  	s18 =	sadd.s32 $0xB800, s18;
	s6 =	sadd.s32 $0x3D600, s7;
	s7 =	smax.u32 s9, $0x1  }
0x10: {  	s8 =	sadd.s32 $0x1000, s5;
	s9 =	sadd.s32 $0x2000, s5;
	s10 =	sadd.s32 $0x3000, s5  }
0x11: {  	s11 =	sadd.s32 $0x4000, s5;
	s12 =	sadd.s32 $0x5000, s5;
	s13 =	sadd.s32 $0x6000, s5  }
0x12: {  	v0 =	vimm.f32 $0.0e+00;
	s14 =	sadd.s32 $0x7000, s5;
	s15 =	sadd.s32 $0x8000, s5;
	s16 =	sadd.s32 $0x9000, s5  }
.LBB2_1:
0x13: {  	s26 =	sand.u32 $0x3F00, s4  }
0x14: {  	s28 =	sand.u32 $0x30, s4;
	s29 =	sshrl.u32 s26, $0x2  }
0x15: {  	s26 =	simm.s32 $0x40;
	s29 =	sor.u32 s28, s29;
	s28 =	simm.s32 $0x0  }
.LBB2_2:
0x16: {  	p0 =	sne.s32 s26, $0x3FC0  }
0x17: {  	[tilespmem:s29+$0x14A0] =	vst v0;
	s28 =	sadd.s32 $0x10, s28;
	s29 =	smov.u32 s26;
	s26 =	sadd.s32 $0x40, s26  }
.Ltmp0:
0x18: {  	(pc) =	sbr.rel @p0 .LBB2_2-.Ltmp0, $4  }
0x19: {  	_ = 	snop  }
0x1a: {  	s29 =	sand.u32 $0x3F00, s29  }
0x1b: {  	s30 =	sand.u32 $0x30, s28;
	s29 =	sshrl.u32 s29, $0x2  }
0x1c: {  	s29 =	sor.u32 s30, s29  }
0x1d: {  	[tilespmem:s29+$0x14A0] =	vst v0  }
0x1e: {  	[spmem:s5] =	stream.linear.scatter [tilespmem:s19], [sflag:$0x2], $0x1000, $0x38;
	[tilespmem:$0xC4A0] =	vst v63  }
0x1f: {  	_ =	swait.ge [sflag:s20], $0x1000  }
0x20: {  	[sflag:s20] =	ssyncset.done $0x0  }
0x21: {  	[sflag:s20] =	ssyncadd.s32 $0xFFFFF000  }
0x22: {  	[spmem:s8] =	stream.linear.scatter [tilespmem:s19], [sflag:$0x2], $0x1000, $0x38;
	[tilespmem:$0xC4A0] =	vst v63  }
0x23: {  	_ =	swait.ge [sflag:s20], $0x1000  }
0x24: {  	[sflag:s20] =	ssyncset.done $0x0  }
0x25: {  	[sflag:s20] =	ssyncadd.s32 $0xFFFFF000  }
0x26: {  	[spmem:s9] =	stream.linear.scatter [tilespmem:s19], [sflag:$0x2], $0x1000, $0x38;
	[tilespmem:$0xC4A0] =	vst v63  }
0x27: {  	_ =	swait.ge [sflag:s20], $0x1000  }
0x28: {  	[sflag:s20] =	ssyncset.done $0x0  }
0x29: {  	[sflag:s20] =	ssyncadd.s32 $0xFFFFF000  }
0x2a: {  	[spmem:s10] =	stream.linear.scatter [tilespmem:s19], [sflag:$0x2], $0x1000, $0x38;
	[tilespmem:$0xC4A0] =	vst v63  }
0x2b: {  	_ =	swait.ge [sflag:s20], $0x1000  }
0x2c: {  	[sflag:s20] =	ssyncset.done $0x0  }
0x2d: {  	[sflag:s20] =	ssyncadd.s32 $0xFFFFF000  }
0x2e: {  	[spmem:s11] =	stream.linear.scatter [tilespmem:s19], [sflag:$0x2], $0x1000, $0x38;
	[tilespmem:$0xC4A0] =	vst v63  }
0x2f: {  	_ =	swait.ge [sflag:s20], $0x1000  }
0x30: {  	[sflag:s20] =	ssyncset.done $0x0  }
0x31: {  	[sflag:s20] =	ssyncadd.s32 $0xFFFFF000  }
0x32: {  	[spmem:s12] =	stream.linear.scatter [tilespmem:s19], [sflag:$0x2], $0x1000, $0x38;
	[tilespmem:$0xC4A0] =	vst v63  }
0x33: {  	_ =	swait.ge [sflag:s20], $0x1000  }
0x34: {  	[sflag:s20] =	ssyncset.done $0x0  }
0x35: {  	[sflag:s20] =	ssyncadd.s32 $0xFFFFF000  }
0x36: {  	[spmem:s13] =	stream.linear.scatter [tilespmem:s19], [sflag:$0x2], $0x1000, $0x38;
	[tilespmem:$0xC4A0] =	vst v63  }
0x37: {  	_ =	swait.ge [sflag:s20], $0x1000  }
0x38: {  	[sflag:s20] =	ssyncset.done $0x0  }
0x39: {  	[sflag:s20] =	ssyncadd.s32 $0xFFFFF000  }
0x3a: {  	[spmem:s14] =	stream.linear.scatter [tilespmem:s19], [sflag:$0x2], $0x1000, $0x38;
	[tilespmem:$0xC4A0] =	vst v63  }
0x3b: {  	_ =	swait.ge [sflag:s20], $0x1000  }
0x3c: {  	[sflag:s20] =	ssyncset.done $0x0  }
0x3d: {  	[sflag:s20] =	ssyncadd.s32 $0xFFFFF000  }
0x3e: {  	[spmem:s15] =	stream.linear.scatter [tilespmem:s19], [sflag:$0x2], $0x1000, $0x38;
	[tilespmem:$0xC4A0] =	vst v63  }
0x3f: {  	_ =	swait.ge [sflag:s20], $0x1000  }
0x40: {  	[sflag:s20] =	ssyncset.done $0x0  }
0x41: {  	[sflag:s20] =	ssyncadd.s32 $0xFFFFF000  }
0x42: {  	[spmem:s16] =	stream.linear.scatter [tilespmem:s19], [sflag:$0x2], $0x1000, $0x38;
	[tilespmem:$0xC4A0] =	vst v63  }
0x43: {  	_ =	swait.ge [sflag:s20], $0x1000  }
0x44: {  	[sflag:s20] =	ssyncset.done $0x0  }
0x45: {  	[sflag:s20] =	ssyncadd.s32 $0xFFFFF000  }
0x46: {  	s26 =	sadd.s32 $0x0, s18;
	[bflag:$0x0] =	sbarrier.arrive $0xFFFF  }
0x47: {  	[tilespmem:s4], [sflag:$0x2] =	stream.linear.gather [hbm4b:s26+s4], $0x50, $0x38;
	[tilespmem:$0xC4A0] =	vst v63  }
0x48: {  	_ =	swait.ge [sflag:s20], $0x50  }
0x49: {  	[sflag:s20] =	ssyncset.done $0x0  }
0x4a: {  	s31 =	sadd.s32 $0x0, s17;
	[sflag:s20] =	ssyncadd.s32 $0xFFFFFFB0  }
0x4b: {  	[tilespmem:s21], [sflag:$0x2] =	stream.linear.gather [hbm4b:s31+s4], $0x50, $0x38;
	[tilespmem:$0xC4A0] =	vst v63  }
0x4c: {  	_ =	swait.ge [sflag:s20], $0x50  }
0x4d: {  	[sflag:s20] =	ssyncset.done $0x0  }
0x4e: {  	[sflag:s20] =	ssyncadd.s32 $0xFFFFFFB0  }
0x4f: {  	[tilespmem:s22], [sflag:$0x1] =	stream.indirect.gather [hbm4b:s1+s21], $0x40, s4, s21, $0xb8;
	[tilespmem:$0xC4A0] =	vst v63  }
0x50: {  	_ =	swait.ge [sflag:s23], $0x1400  }
0x51: {  	[sflag:s23] =	ssyncset.done $0x0  }
0x52: {  	[sflag:s23] =	ssyncadd.s32 $0xFFFFEC00  }
0x53: {  	[spmem:s3] =	stream.indirect.scatter.add.f32 [tilespmem:s22], [sflag:$0x2], $0x40, s21, s21, $0xb8;
	[tilespmem:$0xC4A0] =	vst v63  }
0x54: {  	_ =	swait.ge [sflag:s20], $0x1400  }
0x55: {  	s28 =	simm.s32 $0x14;
	s26 =	simm.s32 $0xA;
	[sflag:s20] =	ssyncset.done $0x0  }
.LBB2_4:
0x56: {  	s29 =	sadd.s32 s26, s18  }
0x57: {  	[sflag:s20] =	ssyncadd.s32 $0xFFFFEC00;
	s30 =	smov.u32 s28;
	s31 =	sadd.s32 $0xA, s28  }
0x58: {  	[tilespmem:s4], [sflag:$0x2] =	stream.linear.gather [hbm4b:s29+s4], $0x50, $0x38;
	[tilespmem:$0xC4A0] =	vst v63  }
0x59: {  	p0 =	sne.s32 s28, $0x4D8;
	_ =	swait.ge [sflag:s20], $0x50  }
0x5a: {  	[sflag:s20] =	ssyncset.done $0x0  }
0x5b: {  	s28 =	sadd.s32 s26, s17;
	s26 =	smov.u32 s30;
	[sflag:s20] =	ssyncadd.s32 $0xFFFFFFB0  }
0x5c: {  	[tilespmem:s21], [sflag:$0x2] =	stream.linear.gather [hbm4b:s28+s4], $0x50, $0x38;
	[tilespmem:$0xC4A0] =	vst v63  }
0x5d: {  	_ =	swait.ge [sflag:s20], $0x50  }
0x5e: {  	[sflag:s20] =	ssyncset.done $0x0  }
0x5f: {  	[sflag:s20] =	ssyncadd.s32 $0xFFFFFFB0  }
0x60: {  	[tilespmem:s22], [sflag:$0x1] =	stream.indirect.gather [hbm4b:s1+s21], $0x40, s4, s21, $0xb8;
	[tilespmem:$0xC4A0] =	vst v63  }
0x61: {  	_ =	swait.ge [sflag:s23], $0x1400  }
.Ltmp1:
0x62: {  	[sflag:s23] =	ssyncset.done $0x0;
	(pc) =	sbr.rel @p0 .LBB2_4-.Ltmp1, $4  }
0x63: {  	[sflag:s23] =	ssyncadd.s32 $0xFFFFEC00  }
0x64: {  	[spmem:s3] =	stream.indirect.scatter.add.f32 [tilespmem:s22], [sflag:$0x2], $0x40, s21, s21, $0xb8;
	[tilespmem:$0xC4A0] =	vst v63  }
0x65: {  	_ =	swait.ge [sflag:s20], $0x1400  }
0x66: {  	s28 =	smov.u32 s31;
	[sflag:s20] =	ssyncset.done $0x0  }
0x67: {  	s28 =	sadd.s32 s26, s18;
	[sflag:s20] =	ssyncadd.s32 $0xFFFFEC00  }
0x68: {  	[tilespmem:s4], [sflag:$0x2] =	stream.linear.gather [hbm4b:s28+s4], $0x50, $0x38;
	[tilespmem:$0xC4A0] =	vst v63  }
0x69: {  	_ =	swait.ge [sflag:s20], $0x50  }
0x6a: {  	[sflag:s20] =	ssyncset.done $0x0  }
0x6b: {  	s30 =	sadd.s32 s26, s17;
	[sflag:s20] =	ssyncadd.s32 $0xFFFFFFB0  }
0x6c: {  	[tilespmem:s21], [sflag:$0x2] =	stream.linear.gather [hbm4b:s30+s4], $0x50, $0x38;
	[tilespmem:$0xC4A0] =	vst v63  }
0x6d: {  	_ =	swait.ge [sflag:s20], $0x50  }
0x6e: {  	[sflag:s20] =	ssyncset.done $0x0  }
0x6f: {  	[sflag:s20] =	ssyncadd.s32 $0xFFFFFFB0  }
0x70: {  	[tilespmem:s22], [sflag:$0x1] =	stream.indirect.gather [hbm4b:s1+s21], $0x40, s4, s21, $0xb8;
	[tilespmem:$0xC4A0] =	vst v63  }
0x71: {  	_ =	swait.ge [sflag:s23], $0x1400  }
0x72: {  	[sflag:s23] =	ssyncset.done $0x0  }
0x73: {  	[sflag:s23] =	ssyncadd.s32 $0xFFFFEC00  }
0x74: {  	[spmem:s3] =	stream.indirect.scatter.add.f32 [tilespmem:s22], [sflag:$0x2], $0x40, s21, s21, $0xb8;
	[tilespmem:$0xC4A0] =	vst v63  }
0x75: {  	_ =	swait.ge [sflag:s20], $0x1400  }
0x76: {  	s25 =	sadd.s32 $0x1, s25;
	[sflag:s20] =	ssyncset.done $0x0  }
0x77: {  	s31 =	sshll.u32 s0, $0x6;
	p0 =	sne.s32 s25, s7;
	[sflag:s20] =	ssyncadd.s32 $0xFFFFEC00  }
.Ltmp2:
0x78: {  	s26 =	sor.u32 $0x1C02, s31;
	[bflag:$0x0] =	sbarrier.arrive $0xFFFF;
	(pc) =	sbr.rel @p0 .LBB2_1-.Ltmp2, $4  }
0x79: {  	[hbm:s6], [sflag:s26] =	dma.local [spmem:s24], $0x1400  }
0x7a: {  	_ =	swait.ge [sflag:s20], $0x1400  }
0x7b: {  	[sflag:s20] =	ssyncset.done $0x0  }
0x7c: {  	[sflag:s20] =	ssyncadd.s32 $0xFFFFEC00  }
0x7d: {  	_ =	sfence.sel $0x180000  }
0x7e: {  	[bflag:$0x0] =	sbarrier.arrive $0xFFFF  }
0x7f: {  	p0 =	sne.s32 s0, $0x0;
	_ =	strace $0x9000004A  }
0x80: {  	s0 =	sadd.s32 @!p0 $0x100000, s2;
	[bflag:$0x2] =	sbarrier.arrive $0xFFFF  }
0x81: {  	[sflag:s0] =	ssyncadd.tile.s32 @!p0 $0x1;
	_ =	shalt  }
.Lfunc_end2:
_tile_overlayer_lowered:
.L_overlay_start_2:
0x82: {  	(tag) =	ssettag $0x2  }
0x83: {  	s0 =	rddreg [dreg:$0x0];
	s2 =	stileid.u32  }
0x84: {  	s1 =	rddreg [dreg:$0x1];
	p0 =	sne.s32 s2, $0x0  }
0x85: {  	s3 =	rddreg [dreg:$0x2];
	[bflag:$0x3] =	sbarrier.arrive $0xFFFF;
	s2 =	simm.s32 @!p0 $0x1C02  }
0x86: {  	[timem:s3], [sflag:s2] =	dma.local @!p0 [hbm:s0], s1  }
0x87: {  	s0 =	simm.s32 @!p0 $0x2  }
0x88: {  	_ =	swait.ge @!p0 [sflag:s0], s1  }
0x89: {  	s1 =	ssub.s32 @!p0 $0x0, s1;
	[sflag:s0] =	ssyncset.done @!p0 $0x0  }
0x8a: {  	[sflag:s0] =	ssyncadd.s32 @!p0 s1  }
0x8b: {  	[bflag:$0x3] =	sbarrier.arrive $0xFFFF  }
0x8c: {  	_ =	shalt  }

// kernel: kernel.14.cloned.1.call-start
scs
__scs_entry_jumppad:
0x0: {  	(pc) =	sbr.rel $0x88, $3  }
0x1: {  	(tag) =	ssettag $0x0;
	lr =	simm.s32 $0x1  }
0x2: {  	[smem:$0x3F9B] =	sst lr;
	_ =	strace $0xD0000000  }
0x3: {  	_ = 	snop  }
0x4: {  	_ = 	snop  }
0x5: {  	_ = 	snop  }
0x6: {  	_ = 	snop  }
0x7: {  	_ = 	snop  }
__scs_overlays_trampoline_lowered:
0x8: {  	[smem:$0x3FAA] =	sst s0  }
0x9: {  	[smem:$0x3FAB] =	sst s1  }
0xa: {  	[smem:$0x3FAC] =	sst s2  }
0xb: {  	[smem:$0x3FAD] =	sst s3  }
0xc: {  	[smem:$0x3FAE] =	sst s4  }
0xd: {  	[smem:$0x3FAF] =	sst s5  }
0xe: {  	[smem:$0x3FB0] =	sst s6  }
0xf: {  	[smem:$0x3FB1] =	sst s7  }
0x10: {  	[smem:$0x3FB2] =	sst s8  }
0x11: {  	[smem:$0x3FB3] =	sst s9;
	s0 =	simm.s32 @!p0 $0x0  }
0x12: {  	s1 =	sld [smem:$0x3F99];
	s0 =	simm.s32 @p0 $0x1  }
0x13: {  	[smem:$0x3FB4] =	sst s0;
	s0 =	simm.s32 @!p1 $0x0  }
0x14: {  	s2 =	sld [smem:$0x3F98];
	s0 =	simm.s32 @p1 $0x1  }
0x15: {  	[smem:$0x3FB5] =	sst s0;
	s0 =	simm.s32 @!p2 $0x0  }
0x16: {  	s3 =	sld [smem:$0x3FDB];
	s0 =	simm.s32 @p2 $0x1  }
0x17: {  	s4 =	simm.s32 $0x1BF5;
	[smem:$0x3FB7] =	sst s0  }
0x18: {  	s0 =	sld [smem:$0x3F9A];
	_ =	swait.ge [sflag:s4], $0x0  }
0x19: {  	s7 =	sld [smem:$0x3F9B]  }
0x1a: {  	s8 =	sadd.s32 $0xFFFFE003, lr  }
0x1b: {  	s9 =	sadd.s32 $0xFFFFFEF7, lr;
	s5 =	simm.s32 $0xFFFFFFFF;
	p2 =	slt.u32 s8, $0xFFFFF086  }
0x1c: {  	p1 =	slt.u32 s9, $0xF7A;
	s5 =	simm.s32 @!p2 $0x0  }
0x1d: {  	s5 =	simm.s32 @p1 $0x1;
	p0 =	seq.s32 s7, s2  }
0x1e: {  	s7 =	smul.u32 @!p0 $0xF7A, s2;
	p2 =	seq.s32 @!p0 s5, $0x0  }
0x1f: {  	s9 =	smul.u32 $0xF7A, s1;
	s8 =	simm.s32 @!p0 $0x1BF5;
	p2 =	por !p2, p0  }
0x20: {  	[sflag:s8] =	ssyncset.s32 @!p0 $0xFFFFF086;
	s6 =	sadd.s32 @!p0 s3, s7;
	s7 =	simm.s32 @!p0 $0x108  }
0x21: {  	s3 =	sadd.s32 s3, s9;
	s6 =	sadd.s32 @!p0 $0x88, s6;
	s7 =	simm.s32 @p2 $0x1082  }
0x22: {  	[simem:s7], [sflag:s8] =	dma.local @!p0 [hbm:s6], $0xF7A  }
0x23: {  	s9 =	sor.u32 $0xD0000000, s2;
	s6 =	simm.s32 $0x108;
	_ =	swait.ge @!p0 [sflag:s8], $0x0  }
0x24: {  	s3 =	sadd.s32 $0x88, s3;
	s6 =	simm.s32 @!p1 $0x1082;
	[sflag:s4] =	ssyncset.s32 $0xFFFFF086  }
0x25: {  	[simem:s6], [sflag:s4] =	dma.local [hbm:s3], $0xF7A  }
0x26: {  	[smem:$0x3F9B] =	sst s1;
	(tag) =	ssettag s2;
	_ =	strace s9  }
0x27: {  	s1 =	sld [smem:$0x3FAB]  }
0x28: {  	s2 =	sld [smem:$0x3FAC]  }
0x29: {  	s4 =	sld [smem:$0x3FAE]  }
0x2a: {  	p0 =	seq.s32 s5, $0x0;
	s5 =	sld [smem:$0x3FAF]  }
0x2b: {  	s6 =	sld [smem:$0x3FB0]  }
0x2c: {  	s7 =	sld [smem:$0x3FB1]  }
0x2d: {  	s3 =	simm.s32 $0x108;
	s8 =	sld [smem:$0x3FB2]  }
0x2e: {  	s3 =	simm.s32 @!p0 $0x1082;
	s9 =	sld [smem:$0x3FB3]  }
0x2f: {  	lr =	sadd.s32 s0, s3;
	s0 =	sld [smem:$0x3FAA]  }
0x30: {  	s3 =	sld [smem:$0x3FAD]  }
0x31: {  	[smem:$0x3FB6] =	sst s10  }
0x32: {  	s10 =	sld [smem:$0x3FB4];
	_ =	sdelay $0x3  }
0x33: {  	p0 =	seq.s32 s10, $0x1;
	s10 =	sld [smem:$0x3FB6];
	_ =	sdelay $0x3  }
0x34: {  	[smem:$0x3FB6] =	sst s10  }
0x35: {  	s10 =	sld [smem:$0x3FB5];
	_ =	sdelay $0x3  }
0x36: {  	p1 =	seq.s32 s10, $0x1;
	s10 =	sld [smem:$0x3FB6];
	_ =	sdelay $0x3  }
0x37: {  	[smem:$0x3FB6] =	sst s10  }
0x38: {  	s10 =	sld [smem:$0x3FB7]  }
0x39: {  	_ = 	snop;
	(pc) =	sbr.ind lr, $3  }
0x3a: {  	_ = 	snop  }
0x3b: {  	_ = 	snop  }
0x3c: {  	p2 =	seq.s32 s10, $0x1;
	s10 =	sld [smem:$0x3FB6]  }
0x3d: {  	_ =	shalt  }
0x3e: {  	_ =	shalt  }
0x3f: {  	_ =	shalt  }
0x40: {  	_ =	shalt  }
0x41: {  	_ =	shalt  }
0x42: {  	_ =	shalt  }
0x43: {  	_ =	shalt  }
0x44: {  	_ =	shalt  }
0x45: {  	_ =	shalt  }
0x46: {  	_ =	shalt  }
0x47: {  	_ =	shalt  }
0x48: {  	_ =	shalt  }
0x49: {  	_ =	shalt  }
0x4a: {  	_ =	shalt  }
0x4b: {  	_ =	shalt  }
0x4c: {  	_ =	shalt  }
0x4d: {  	_ =	shalt  }
0x4e: {  	_ =	shalt  }
0x4f: {  	_ =	shalt  }
0x50: {  	_ =	shalt  }
0x51: {  	_ =	shalt  }
0x52: {  	_ =	shalt  }
0x53: {  	_ =	shalt  }
0x54: {  	_ =	shalt  }
0x55: {  	_ =	shalt  }
0x56: {  	_ =	shalt  }
0x57: {  	_ =	shalt  }
0x58: {  	_ =	shalt  }
0x59: {  	_ =	shalt  }
0x5a: {  	_ =	shalt  }
0x5b: {  	_ =	shalt  }
0x5c: {  	_ =	shalt  }
0x5d: {  	_ =	shalt  }
0x5e: {  	_ =	shalt  }
0x5f: {  	_ =	shalt  }
0x60: {  	_ =	shalt  }
0x61: {  	_ =	shalt  }
0x62: {  	_ =	shalt  }
0x63: {  	_ =	shalt  }
0x64: {  	_ =	shalt  }
0x65: {  	_ =	shalt  }
0x66: {  	_ =	shalt  }
0x67: {  	_ =	shalt  }
0x68: {  	_ =	shalt  }
0x69: {  	_ =	shalt  }
0x6a: {  	_ =	shalt  }
0x6b: {  	_ =	shalt  }
0x6c: {  	_ =	shalt  }
0x6d: {  	_ =	shalt  }
0x6e: {  	_ =	shalt  }
0x6f: {  	_ =	shalt  }
0x70: {  	_ =	shalt  }
0x71: {  	_ =	shalt  }
0x72: {  	_ =	shalt  }
0x73: {  	_ =	shalt  }
0x74: {  	_ =	shalt  }
0x75: {  	_ =	shalt  }
0x76: {  	_ =	shalt  }
0x77: {  	_ =	shalt  }
0x78: {  	_ =	shalt  }
0x79: {  	_ =	shalt  }
0x7a: {  	_ =	shalt  }
0x7b: {  	_ =	shalt  }
0x7c: {  	_ =	shalt  }
0x7d: {  	_ =	shalt  }
0x7e: {  	_ =	shalt  }
0x7f: {  	_ =	shalt  }
0x80: {  	_ =	shalt  }
0x81: {  	_ =	shalt  }
0x82: {  	_ =	shalt  }
0x83: {  	_ =	shalt  }
0x84: {  	_ =	shalt  }
0x85: {  	_ =	shalt  }
0x86: {  	_ =	shalt  }
0x87: {  	_ =	shalt  }
.Lfunc_end0:
.L_simem_size_0:
called_computation.2_lowered:
.L_overlay_start_0:
0x88: {  	s2 =	sld [smem:$0x3FD9]  }
0x89: {  	s3 =	sld [smem:$0x3FFE];
	_ =	sdelay $0x1  }
0x8a: {  	s1 =	srdreg.scid  }
0x8b: {  	s0 =	sand.u32 $0x1, s1  }
0x8c: {  	s17 =	sshll.u32 s0, $0xA;
	s2 =	sadd.s32 s3, s2  }
0x8d: {  	s2 =	sadd.s32 s2, s17  }
0x8e: {  	[smem:$0x3FC2] =	sst s2  }
0x8f: {  	_ = 	snop  }
0x90: {  	s2 =	sld [smem:$0x3FD0];
	(tm) =	ssettm $0x1  }
0x91: {  	s18 =	sld [smem:$0x3FFB];
	_ =	sdelay $0x3  }
0x92: {  	_ =	strace s18  }
0x93: {  	s3 =	sld [smem:$0x3FFC];
	_ =	sdelay $0x3  }
0x94: {  	_ =	strace s3  }
0x95: {  	s3 =	sld [smem:$0x3FFD];
	_ =	sdelay $0x3  }
0x96: {  	_ =	strace s3  }
0x97: {  	_ =	strace $0x8FFFFFFF  }
0x98: {  	s19 =	sld [smem:$0x3FDB];
	_ =	sdelay $0x1  }
0x99: {  	s4 =	simm.s32 $_scs_section_size  }
0x9a: {  	s5 =	simm.s32 $_size__tile_overlayer_lowered;
	s6 =	simm.s32 $_tile_overlayer_lowered  }
0x9b: {  	s22 =	simm.s32 $0x1BFF;
	s21 =	sshll.u32 s6, $0x1;
	s3 =	sadd.s32 s4, s19  }
0x9c: {  	s7 =	simm.s32 $0x0;
	s20 =	sshll.u32 s5, $0x1;
	s5 =	sadd.s32 s21, s3  }
0x9d: {  	[timem:s7], [sflag:s22] =	dma.local [hbm:s5], s20  }
0x9e: {  	_ =	swait.ge [sflag:s22], s20  }
0x9f: {  	s4 =	ssub.s32 $0x0, s20;
	[sflag:s22] =	ssyncset.done $0x0  }
0xa0: {  	[sflag:s22] =	ssyncadd.s32 s4;
	_ =	sdelay $0x1  }
0xa1: {  	s23 =	simm.s32 $0x1B8B  }
0xa2: {  	_ =	swait.ge [sflag:s23], $0x1  }
0xa3: {  	[sflag:s23] =	ssyncset.done $0x0  }
0xa4: {  	s25 =	simm.s32 $0x1B8E;
	s24 =	sld [smem:$0x3FFE];
	[sflag:s23] =	ssyncadd.s32 $0xFFFFFFFF  }
0xa5: {  	s26 =	simm.s32 $execute0_lowered;
	[smem:$0x3FD2] =	sst s25  }
0xa6: {  	s5 =	sshll.u32 s26, $0x1;
	_ =	strace $0x8000004C;
	[dreg:$0x1] =	wrdreg $0xFFFFFFFF  }
0xa7: {  	s28 =	simm.s32 $_size_execute0_lowered;
	s3 =	sadd.s32 s3, s5;
	[dreg:$0x0] =	wrdreg $0x0  }
0xa8: {  	s5 =	sshll.u32 s28, $0x1;
	[dreg:$0x2] =	wrdreg s3  }
0xa9: {  	[dreg:$0x3] =	wrdreg s5  }
0xaa: {  	[dreg:$0x4] =	wrdreg $0xC0  }
0xab: {  	_ =	task [dreg:s7], $0x5FFFF  }
0xac: {  	[dreg:$0x1] =	wrdreg $0xFFFFFFFF  }
0xad: {  	[dreg:$0x0] =	wrdreg $0x60  }
0xae: {  	[dreg:$0x2] =	wrdreg s2  }
0xaf: {  	[dreg:$0x3] =	wrdreg s24  }
0xb0: {  	[dreg:$0x4] =	wrdreg $0x24A00  }
0xb1: {  	[dreg:$0x5] =	wrdreg $0x9  }
0xb2: {  	_ =	task.clear_ibuf [dreg:s7], $0x6FFFF;
	_ =	strace $0x9000004C  }
0xb3: {  	s29 =	simm.s32 $0x9;
	_ =	strace $0x8000004E  }
0xb4: {  	_ =	swait.ge [sflag:s29], $0x1  }
0xb5: {  	[sflag:s29] =	ssyncadd.s32 $0xFFFFFFFF  }
0xb6: {  	_ =	strace $0x9000004E  }
0xb7: {  	_ =	sfence  }
0xb8: {  	s30 =	sld [smem:$0x0];
	_ =	sdelay $0x2  }
0xb9: {  	s31 =	sshll.u32 s1, $0xD;
	s1 =	sshrl.u32 s1, $0x2  }
0xba: {  	s3 =	sand.u32 $0x4000, s31;
	s1 =	sadd.s32 s1, s30  }
0xbb: {  	s0 =	sor.u32 s3, s0;
	s1 =	sshll.u32 s1, $0x11  }
0xbc: {  	s0 =	sor.u32 s1, s0  }
0xbd: {  	s0 =	sadd.s32 $0x8F2B, s0  }
0xbe: {  	[sflag:s0] =	ssyncadd.remote.s32 $0x1  }
0xbf: {  	_ =	sfence.sel $0xFFFF  }
0xc0: {  	[dreg:$0x0] =	wrdreg $0xFFFFFFFF;
	(pc) =	sbr.abs _section_cstart, $3  }
0xc1: {  	[dreg:$0x1] =	wrdreg $0xFFFFFFFF  }
0xc2: {  	_ =	task.clear_ibuf [dreg:s7], $0x2FFFF;
	_ =	strace $0x9FFFFFFF  }
0xc3: {  	(tm) =	ssettm $0x7FFFFFFF  }
tec
execute0_lowered:
.L_overlay_start_1:
0x0: {  	(tag) =	ssettag $0x1  }
0x1: {  	s1 =	rddreg [dreg:$0x0]  }
0x2: {  	s5 =	rddreg [dreg:$0x1]  }
0x3: {  	s0 =	srdreg.scid;
	s3 =	rddreg [dreg:$0x2]  }
0x4: {  	s2 =	rddreg [dreg:$0x3];
	s6 =	sand.u32 $0x1, s0  }
0x5: {  	s0 =	stileid.u32;
	s7 =	smul.u32 $0x27100, s6  }
0x6: {  	s4 =	simm.s32 $0x0;
	s19 =	simm.s32 $0x14A0;
	s8 =	smul.u32 $0x2710, s0  }
0x7: {  	s20 =	simm.s32 $0x2;
	s21 =	simm.s32 $0x50;
	s9 =	smul.u32 $0xA0000, s6  }
0x8: {  	s22 =	simm.s32 $0xA0;
	s23 =	simm.s32 $0x1;
	s29 =	smul.u32 $0xA000, s0  }
0x9: {  	[smem:$0x7FF] =	sst s4;
	s10 =	smul.u32 $0x28000, s0;
	s6 =	ssub.s32 $0x2, s6  }
0xa: {  	s25 =	simm.s32 $0x0;
	_ =	strace $0x8000004D;
	s31 =	sshrl.u32 s6, $0x1  }
0xb: {  	s7 =	sadd.s32 s8, s7;
	s30 =	sadd.s32 s29, s9;
	s10 =	sshrl.u32 s10, $0x2  }
0xc: {  	s9 =	ssub.s32 s6, s31;
	s24 =	sadd.s32 s29, s3;
	s7 =	sshrl.u32 s7, $0x3  }
0xd: {  	s24 =	sshrl.u32 s24, $0x3;
	s18 =	sadd.s32 s7, s5;
	s7 =	sshrl.u32 s30, $0x3  }
0xe: {  	s7 =	sadd.s32 s7, s5;
	s5 =	sadd.s32 s10, s3;
	s17 =	sadd.s32 $0x1A00, s18  }
0xf: {  	s18 =	sadd.s32 $0xB800, s18;
	s6 =	sadd.s32 $0x15600, s7;
	s7 =	smax.u32 s9, $0x1  }
0x10: {  	s8 =	sadd.s32 $0x1000, s5;
	s9 =	sadd.s32 $0x2000, s5;
	s10 =	sadd.s32 $0x3000, s5  }
0x11: {  	s11 =	sadd.s32 $0x4000, s5;
	s12 =	sadd.s32 $0x5000, s5;
	s13 =	sadd.s32 $0x6000, s5  }
0x12: {  	v0 =	vimm.f32 $0.0e+00;
	s14 =	sadd.s32 $0x7000, s5;
	s15 =	sadd.s32 $0x8000, s5;
	s16 =	sadd.s32 $0x9000, s5  }
.LBB2_1:
0x13: {  	s26 =	sand.u32 $0x3F00, s4  }
0x14: {  	s28 =	sand.u32 $0x30, s4;
	s29 =	sshrl.u32 s26, $0x2  }
0x15: {  	s26 =	simm.s32 $0x40;
	s29 =	sor.u32 s28, s29;
	s28 =	simm.s32 $0x0  }
.LBB2_2:
0x16: {  	p0 =	sne.s32 s26, $0x3FC0  }
0x17: {  	[tilespmem:s29+$0x14A0] =	vst v0;
	s28 =	sadd.s32 $0x10, s28;
	s29 =	smov.u32 s26;
	s26 =	sadd.s32 $0x40, s26  }
.Ltmp0:
0x18: {  	(pc) =	sbr.rel @p0 .LBB2_2-.Ltmp0, $4  }
0x19: {  	_ = 	snop  }
0x1a: {  	s29 =	sand.u32 $0x3F00, s29  }
0x1b: {  	s30 =	sand.u32 $0x30, s28;
	s29 =	sshrl.u32 s29, $0x2  }
0x1c: {  	s29 =	sor.u32 s30, s29  }
0x1d: {  	[tilespmem:s29+$0x14A0] =	vst v0  }
0x1e: {  	[spmem:s5] =	stream.linear.scatter [tilespmem:s19], [sflag:$0x2], $0x1000, $0x38;
	[tilespmem:$0xC4A0] =	vst v63  }
0x1f: {  	_ =	swait.ge [sflag:s20], $0x1000  }
0x20: {  	[sflag:s20] =	ssyncset.done $0x0  }
0x21: {  	[sflag:s20] =	ssyncadd.s32 $0xFFFFF000  }
0x22: {  	[spmem:s8] =	stream.linear.scatter [tilespmem:s19], [sflag:$0x2], $0x1000, $0x38;
	[tilespmem:$0xC4A0] =	vst v63  }
0x23: {  	_ =	swait.ge [sflag:s20], $0x1000  }
0x24: {  	[sflag:s20] =	ssyncset.done $0x0  }
0x25: {  	[sflag:s20] =	ssyncadd.s32 $0xFFFFF000  }
0x26: {  	[spmem:s9] =	stream.linear.scatter [tilespmem:s19], [sflag:$0x2], $0x1000, $0x38;
	[tilespmem:$0xC4A0] =	vst v63  }
0x27: {  	_ =	swait.ge [sflag:s20], $0x1000  }
0x28: {  	[sflag:s20] =	ssyncset.done $0x0  }
0x29: {  	[sflag:s20] =	ssyncadd.s32 $0xFFFFF000  }
0x2a: {  	[spmem:s10] =	stream.linear.scatter [tilespmem:s19], [sflag:$0x2], $0x1000, $0x38;
	[tilespmem:$0xC4A0] =	vst v63  }
0x2b: {  	_ =	swait.ge [sflag:s20], $0x1000  }
0x2c: {  	[sflag:s20] =	ssyncset.done $0x0  }
0x2d: {  	[sflag:s20] =	ssyncadd.s32 $0xFFFFF000  }
0x2e: {  	[spmem:s11] =	stream.linear.scatter [tilespmem:s19], [sflag:$0x2], $0x1000, $0x38;
	[tilespmem:$0xC4A0] =	vst v63  }
0x2f: {  	_ =	swait.ge [sflag:s20], $0x1000  }
0x30: {  	[sflag:s20] =	ssyncset.done $0x0  }
0x31: {  	[sflag:s20] =	ssyncadd.s32 $0xFFFFF000  }
0x32: {  	[spmem:s12] =	stream.linear.scatter [tilespmem:s19], [sflag:$0x2], $0x1000, $0x38;
	[tilespmem:$0xC4A0] =	vst v63  }
0x33: {  	_ =	swait.ge [sflag:s20], $0x1000  }
0x34: {  	[sflag:s20] =	ssyncset.done $0x0  }
0x35: {  	[sflag:s20] =	ssyncadd.s32 $0xFFFFF000  }
0x36: {  	[spmem:s13] =	stream.linear.scatter [tilespmem:s19], [sflag:$0x2], $0x1000, $0x38;
	[tilespmem:$0xC4A0] =	vst v63  }
0x37: {  	_ =	swait.ge [sflag:s20], $0x1000  }
0x38: {  	[sflag:s20] =	ssyncset.done $0x0  }
0x39: {  	[sflag:s20] =	ssyncadd.s32 $0xFFFFF000  }
0x3a: {  	[spmem:s14] =	stream.linear.scatter [tilespmem:s19], [sflag:$0x2], $0x1000, $0x38;
	[tilespmem:$0xC4A0] =	vst v63  }
0x3b: {  	_ =	swait.ge [sflag:s20], $0x1000  }
0x3c: {  	[sflag:s20] =	ssyncset.done $0x0  }
0x3d: {  	[sflag:s20] =	ssyncadd.s32 $0xFFFFF000  }
0x3e: {  	[spmem:s15] =	stream.linear.scatter [tilespmem:s19], [sflag:$0x2], $0x1000, $0x38;
	[tilespmem:$0xC4A0] =	vst v63  }
0x3f: {  	_ =	swait.ge [sflag:s20], $0x1000  }
0x40: {  	[sflag:s20] =	ssyncset.done $0x0  }
0x41: {  	[sflag:s20] =	ssyncadd.s32 $0xFFFFF000  }
0x42: {  	[spmem:s16] =	stream.linear.scatter [tilespmem:s19], [sflag:$0x2], $0x1000, $0x38;
	[tilespmem:$0xC4A0] =	vst v63  }
0x43: {  	_ =	swait.ge [sflag:s20], $0x1000  }
0x44: {  	[sflag:s20] =	ssyncset.done $0x0  }
0x45: {  	[sflag:s20] =	ssyncadd.s32 $0xFFFFF000  }
0x46: {  	s26 =	sadd.s32 $0x0, s18;
	[bflag:$0x0] =	sbarrier.arrive $0xFFFF  }
0x47: {  	[tilespmem:s4], [sflag:$0x2] =	stream.linear.gather [hbm4b:s26+s4], $0x50, $0x38;
	[tilespmem:$0xC4A0] =	vst v63  }
0x48: {  	_ =	swait.ge [sflag:s20], $0x50  }
0x49: {  	[sflag:s20] =	ssyncset.done $0x0  }
0x4a: {  	s31 =	sadd.s32 $0x0, s17;
	[sflag:s20] =	ssyncadd.s32 $0xFFFFFFB0  }
0x4b: {  	[tilespmem:s21], [sflag:$0x2] =	stream.linear.gather [hbm4b:s31+s4], $0x50, $0x38;
	[tilespmem:$0xC4A0] =	vst v63  }
0x4c: {  	_ =	swait.ge [sflag:s20], $0x50  }
0x4d: {  	[sflag:s20] =	ssyncset.done $0x0  }
0x4e: {  	[sflag:s20] =	ssyncadd.s32 $0xFFFFFFB0  }
0x4f: {  	[tilespmem:s22], [sflag:$0x1] =	stream.indirect.gather [hbm4b:s1+s21], $0x40, s4, s21, $0xb8;
	[tilespmem:$0xC4A0] =	vst v63  }
0x50: {  	_ =	swait.ge [sflag:s23], $0x1400  }
0x51: {  	[sflag:s23] =	ssyncset.done $0x0  }
0x52: {  	[sflag:s23] =	ssyncadd.s32 $0xFFFFEC00  }
0x53: {  	[spmem:s3] =	stream.indirect.scatter.add.f32 [tilespmem:s22], [sflag:$0x2], $0x40, s21, s21, $0xb8;
	[tilespmem:$0xC4A0] =	vst v63  }
0x54: {  	_ =	swait.ge [sflag:s20], $0x1400  }
0x55: {  	s28 =	simm.s32 $0x14;
	s26 =	simm.s32 $0xA;
	[sflag:s20] =	ssyncset.done $0x0  }
.LBB2_4:
0x56: {  	s29 =	sadd.s32 s26, s18  }
0x57: {  	[sflag:s20] =	ssyncadd.s32 $0xFFFFEC00;
	s30 =	smov.u32 s28;
	s31 =	sadd.s32 $0xA, s28  }
0x58: {  	[tilespmem:s4], [sflag:$0x2] =	stream.linear.gather [hbm4b:s29+s4], $0x50, $0x38;
	[tilespmem:$0xC4A0] =	vst v63  }
0x59: {  	p0 =	sne.s32 s28, $0x4D8;
	_ =	swait.ge [sflag:s20], $0x50  }
0x5a: {  	[sflag:s20] =	ssyncset.done $0x0  }
0x5b: {  	s28 =	sadd.s32 s26, s17;
	s26 =	smov.u32 s30;
	[sflag:s20] =	ssyncadd.s32 $0xFFFFFFB0  }
0x5c: {  	[tilespmem:s21], [sflag:$0x2] =	stream.linear.gather [hbm4b:s28+s4], $0x50, $0x38;
	[tilespmem:$0xC4A0] =	vst v63  }
0x5d: {  	_ =	swait.ge [sflag:s20], $0x50  }
0x5e: {  	[sflag:s20] =	ssyncset.done $0x0  }
0x5f: {  	[sflag:s20] =	ssyncadd.s32 $0xFFFFFFB0  }
0x60: {  	[tilespmem:s22], [sflag:$0x1] =	stream.indirect.gather [hbm4b:s1+s21], $0x40, s4, s21, $0xb8;
	[tilespmem:$0xC4A0] =	vst v63  }
0x61: {  	_ =	swait.ge [sflag:s23], $0x1400  }
.Ltmp1:
0x62: {  	[sflag:s23] =	ssyncset.done $0x0;
	(pc) =	sbr.rel @p0 .LBB2_4-.Ltmp1, $4  }
0x63: {  	[sflag:s23] =	ssyncadd.s32 $0xFFFFEC00  }
0x64: {  	[spmem:s3] =	stream.indirect.scatter.add.f32 [tilespmem:s22], [sflag:$0x2], $0x40, s21, s21, $0xb8;
	[tilespmem:$0xC4A0] =	vst v63  }
0x65: {  	_ =	swait.ge [sflag:s20], $0x1400  }
0x66: {  	s28 =	smov.u32 s31;
	[sflag:s20] =	ssyncset.done $0x0  }
0x67: {  	s28 =	sadd.s32 s26, s18;
	[sflag:s20] =	ssyncadd.s32 $0xFFFFEC00  }
0x68: {  	[tilespmem:s4], [sflag:$0x2] =	stream.linear.gather [hbm4b:s28+s4], $0x50, $0x38;
	[tilespmem:$0xC4A0] =	vst v63  }
0x69: {  	_ =	swait.ge [sflag:s20], $0x50  }
0x6a: {  	[sflag:s20] =	ssyncset.done $0x0  }
0x6b: {  	s30 =	sadd.s32 s26, s17;
	[sflag:s20] =	ssyncadd.s32 $0xFFFFFFB0  }
0x6c: {  	[tilespmem:s21], [sflag:$0x2] =	stream.linear.gather [hbm4b:s30+s4], $0x50, $0x38;
	[tilespmem:$0xC4A0] =	vst v63  }
0x6d: {  	_ =	swait.ge [sflag:s20], $0x50  }
0x6e: {  	[sflag:s20] =	ssyncset.done $0x0  }
0x6f: {  	[sflag:s20] =	ssyncadd.s32 $0xFFFFFFB0  }
0x70: {  	[tilespmem:s22], [sflag:$0x1] =	stream.indirect.gather [hbm4b:s1+s21], $0x40, s4, s21, $0xb8;
	[tilespmem:$0xC4A0] =	vst v63  }
0x71: {  	_ =	swait.ge [sflag:s23], $0x1400  }
0x72: {  	[sflag:s23] =	ssyncset.done $0x0  }
0x73: {  	[sflag:s23] =	ssyncadd.s32 $0xFFFFEC00  }
0x74: {  	[spmem:s3] =	stream.indirect.scatter.add.f32 [tilespmem:s22], [sflag:$0x2], $0x40, s21, s21, $0xb8;
	[tilespmem:$0xC4A0] =	vst v63  }
0x75: {  	_ =	swait.ge [sflag:s20], $0x1400  }
0x76: {  	s25 =	sadd.s32 $0x1, s25;
	[sflag:s20] =	ssyncset.done $0x0  }
0x77: {  	s31 =	sshll.u32 s0, $0x6;
	p0 =	sne.s32 s25, s7;
	[sflag:s20] =	ssyncadd.s32 $0xFFFFEC00  }
.Ltmp2:
0x78: {  	s26 =	sor.u32 $0x1C02, s31;
	[bflag:$0x0] =	sbarrier.arrive $0xFFFF;
	(pc) =	sbr.rel @p0 .LBB2_1-.Ltmp2, $4  }
0x79: {  	[hbm:s6], [sflag:s26] =	dma.local [spmem:s24], $0x1400  }
0x7a: {  	_ =	swait.ge [sflag:s20], $0x1400  }
0x7b: {  	[sflag:s20] =	ssyncset.done $0x0  }
0x7c: {  	[sflag:s20] =	ssyncadd.s32 $0xFFFFEC00  }
0x7d: {  	_ =	sfence.sel $0x180000  }
0x7e: {  	[bflag:$0x0] =	sbarrier.arrive $0xFFFF  }
0x7f: {  	p0 =	sne.s32 s0, $0x0;
	_ =	strace $0x9000004D  }
0x80: {  	s0 =	sadd.s32 @!p0 $0x100000, s2;
	[bflag:$0x2] =	sbarrier.arrive $0xFFFF  }
0x81: {  	[sflag:s0] =	ssyncadd.tile.s32 @!p0 $0x1;
	_ =	shalt  }
.Lfunc_end2:
_tile_overlayer_lowered:
.L_overlay_start_2:
0x82: {  	(tag) =	ssettag $0x2  }
0x83: {  	s0 =	rddreg [dreg:$0x0];
	s2 =	stileid.u32  }
0x84: {  	s1 =	rddreg [dreg:$0x1];
	p0 =	sne.s32 s2, $0x0  }
0x85: {  	s3 =	rddreg [dreg:$0x2];
	[bflag:$0x3] =	sbarrier.arrive $0xFFFF;
	s2 =	simm.s32 @!p0 $0x1C02  }
0x86: {  	[timem:s3], [sflag:s2] =	dma.local @!p0 [hbm:s0], s1  }
0x87: {  	s0 =	simm.s32 @!p0 $0x2  }
0x88: {  	_ =	swait.ge @!p0 [sflag:s0], s1  }
0x89: {  	s1 =	ssub.s32 @!p0 $0x0, s1;
	[sflag:s0] =	ssyncset.done @!p0 $0x0  }
0x8a: {  	[sflag:s0] =	ssyncadd.s32 @!p0 s1  }
0x8b: {  	[bflag:$0x3] =	sbarrier.arrive $0xFFFF  }
0x8c: {  	_ =	shalt  }

// kernel: kernel.8.cloned.1.call-start
scs
__scs_entry_jumppad:
0x0: {  	(pc) =	sbr.rel $0x88, $3  }
0x1: {  	(tag) =	ssettag $0x0;
	lr =	simm.s32 $0x1  }
0x2: {  	[smem:$0x3F9B] =	sst lr;
	_ =	strace $0xD0000000  }
0x3: {  	_ = 	snop  }
0x4: {  	_ = 	snop  }
0x5: {  	_ = 	snop  }
0x6: {  	_ = 	snop  }
0x7: {  	_ = 	snop  }
__scs_overlays_trampoline_lowered:
0x8: {  	[smem:$0x3FAA] =	sst s0  }
0x9: {  	[smem:$0x3FAB] =	sst s1  }
0xa: {  	[smem:$0x3FAC] =	sst s2  }
0xb: {  	[smem:$0x3FAD] =	sst s3  }
0xc: {  	[smem:$0x3FAE] =	sst s4  }
0xd: {  	[smem:$0x3FAF] =	sst s5  }
0xe: {  	[smem:$0x3FB0] =	sst s6  }
0xf: {  	[smem:$0x3FB1] =	sst s7  }
0x10: {  	[smem:$0x3FB2] =	sst s8  }
0x11: {  	[smem:$0x3FB3] =	sst s9;
	s0 =	simm.s32 @!p0 $0x0  }
0x12: {  	s1 =	sld [smem:$0x3F99];
	s0 =	simm.s32 @p0 $0x1  }
0x13: {  	[smem:$0x3FB4] =	sst s0;
	s0 =	simm.s32 @!p1 $0x0  }
0x14: {  	s2 =	sld [smem:$0x3F98];
	s0 =	simm.s32 @p1 $0x1  }
0x15: {  	[smem:$0x3FB5] =	sst s0;
	s0 =	simm.s32 @!p2 $0x0  }
0x16: {  	s3 =	sld [smem:$0x3FDB];
	s0 =	simm.s32 @p2 $0x1  }
0x17: {  	s4 =	simm.s32 $0x1BF5;
	[smem:$0x3FB7] =	sst s0  }
0x18: {  	s0 =	sld [smem:$0x3F9A];
	_ =	swait.ge [sflag:s4], $0x0  }
0x19: {  	s7 =	sld [smem:$0x3F9B]  }
0x1a: {  	s8 =	sadd.s32 $0xFFFFE003, lr  }
0x1b: {  	s9 =	sadd.s32 $0xFFFFFEF7, lr;
	s5 =	simm.s32 $0xFFFFFFFF;
	p2 =	slt.u32 s8, $0xFFFFF086  }
0x1c: {  	p1 =	slt.u32 s9, $0xF7A;
	s5 =	simm.s32 @!p2 $0x0  }
0x1d: {  	s5 =	simm.s32 @p1 $0x1;
	p0 =	seq.s32 s7, s2  }
0x1e: {  	s7 =	smul.u32 @!p0 $0xF7A, s2;
	p2 =	seq.s32 @!p0 s5, $0x0  }
0x1f: {  	s9 =	smul.u32 $0xF7A, s1;
	s8 =	simm.s32 @!p0 $0x1BF5;
	p2 =	por !p2, p0  }
0x20: {  	[sflag:s8] =	ssyncset.s32 @!p0 $0xFFFFF086;
	s6 =	sadd.s32 @!p0 s3, s7;
	s7 =	simm.s32 @!p0 $0x108  }
0x21: {  	s3 =	sadd.s32 s3, s9;
	s6 =	sadd.s32 @!p0 $0x88, s6;
	s7 =	simm.s32 @p2 $0x1082  }
0x22: {  	[simem:s7], [sflag:s8] =	dma.local @!p0 [hbm:s6], $0xF7A  }
0x23: {  	s9 =	sor.u32 $0xD0000000, s2;
	s6 =	simm.s32 $0x108;
	_ =	swait.ge @!p0 [sflag:s8], $0x0  }
0x24: {  	s3 =	sadd.s32 $0x88, s3;
	s6 =	simm.s32 @!p1 $0x1082;
	[sflag:s4] =	ssyncset.s32 $0xFFFFF086  }
0x25: {  	[simem:s6], [sflag:s4] =	dma.local [hbm:s3], $0xF7A  }
0x26: {  	[smem:$0x3F9B] =	sst s1;
	(tag) =	ssettag s2;
	_ =	strace s9  }
0x27: {  	s1 =	sld [smem:$0x3FAB]  }
0x28: {  	s2 =	sld [smem:$0x3FAC]  }
0x29: {  	s4 =	sld [smem:$0x3FAE]  }
0x2a: {  	p0 =	seq.s32 s5, $0x0;
	s5 =	sld [smem:$0x3FAF]  }
0x2b: {  	s6 =	sld [smem:$0x3FB0]  }
0x2c: {  	s7 =	sld [smem:$0x3FB1]  }
0x2d: {  	s3 =	simm.s32 $0x108;
	s8 =	sld [smem:$0x3FB2]  }
0x2e: {  	s3 =	simm.s32 @!p0 $0x1082;
	s9 =	sld [smem:$0x3FB3]  }
0x2f: {  	lr =	sadd.s32 s0, s3;
	s0 =	sld [smem:$0x3FAA]  }
0x30: {  	s3 =	sld [smem:$0x3FAD]  }
0x31: {  	[smem:$0x3FB6] =	sst s10  }
0x32: {  	s10 =	sld [smem:$0x3FB4];
	_ =	sdelay $0x3  }
0x33: {  	p0 =	seq.s32 s10, $0x1;
	s10 =	sld [smem:$0x3FB6];
	_ =	sdelay $0x3  }
0x34: {  	[smem:$0x3FB6] =	sst s10  }
0x35: {  	s10 =	sld [smem:$0x3FB5];
	_ =	sdelay $0x3  }
0x36: {  	p1 =	seq.s32 s10, $0x1;
	s10 =	sld [smem:$0x3FB6];
	_ =	sdelay $0x3  }
0x37: {  	[smem:$0x3FB6] =	sst s10  }
0x38: {  	s10 =	sld [smem:$0x3FB7]  }
0x39: {  	_ = 	snop;
	(pc) =	sbr.ind lr, $3  }
0x3a: {  	_ = 	snop  }
0x3b: {  	_ = 	snop  }
0x3c: {  	p2 =	seq.s32 s10, $0x1;
	s10 =	sld [smem:$0x3FB6]  }
0x3d: {  	_ =	shalt  }
0x3e: {  	_ =	shalt  }
0x3f: {  	_ =	shalt  }
0x40: {  	_ =	shalt  }
0x41: {  	_ =	shalt  }
0x42: {  	_ =	shalt  }
0x43: {  	_ =	shalt  }
0x44: {  	_ =	shalt  }
0x45: {  	_ =	shalt  }
0x46: {  	_ =	shalt  }
0x47: {  	_ =	shalt  }
0x48: {  	_ =	shalt  }
0x49: {  	_ =	shalt  }
0x4a: {  	_ =	shalt  }
0x4b: {  	_ =	shalt  }
0x4c: {  	_ =	shalt  }
0x4d: {  	_ =	shalt  }
0x4e: {  	_ =	shalt  }
0x4f: {  	_ =	shalt  }
0x50: {  	_ =	shalt  }
0x51: {  	_ =	shalt  }
0x52: {  	_ =	shalt  }
0x53: {  	_ =	shalt  }
0x54: {  	_ =	shalt  }
0x55: {  	_ =	shalt  }
0x56: {  	_ =	shalt  }
0x57: {  	_ =	shalt  }
0x58: {  	_ =	shalt  }
0x59: {  	_ =	shalt  }
0x5a: {  	_ =	shalt  }
0x5b: {  	_ =	shalt  }
0x5c: {  	_ =	shalt  }
0x5d: {  	_ =	shalt  }
0x5e: {  	_ =	shalt  }
0x5f: {  	_ =	shalt  }
0x60: {  	_ =	shalt  }
0x61: {  	_ =	shalt  }
0x62: {  	_ =	shalt  }
0x63: {  	_ =	shalt  }
0x64: {  	_ =	shalt  }
0x65: {  	_ =	shalt  }
0x66: {  	_ =	shalt  }
0x67: {  	_ =	shalt  }
0x68: {  	_ =	shalt  }
0x69: {  	_ =	shalt  }
0x6a: {  	_ =	shalt  }
0x6b: {  	_ =	shalt  }
0x6c: {  	_ =	shalt  }
0x6d: {  	_ =	shalt  }
0x6e: {  	_ =	shalt  }
0x6f: {  	_ =	shalt  }
0x70: {  	_ =	shalt  }
0x71: {  	_ =	shalt  }
0x72: {  	_ =	shalt  }
0x73: {  	_ =	shalt  }
0x74: {  	_ =	shalt  }
0x75: {  	_ =	shalt  }
0x76: {  	_ =	shalt  }
0x77: {  	_ =	shalt  }
0x78: {  	_ =	shalt  }
0x79: {  	_ =	shalt  }
0x7a: {  	_ =	shalt  }
0x7b: {  	_ =	shalt  }
0x7c: {  	_ =	shalt  }
0x7d: {  	_ =	shalt  }
0x7e: {  	_ =	shalt  }
0x7f: {  	_ =	shalt  }
0x80: {  	_ =	shalt  }
0x81: {  	_ =	shalt  }
0x82: {  	_ =	shalt  }
0x83: {  	_ =	shalt  }
0x84: {  	_ =	shalt  }
0x85: {  	_ =	shalt  }
0x86: {  	_ =	shalt  }
0x87: {  	_ =	shalt  }
.Lfunc_end0:
.L_simem_size_0:
called_computation_lowered:
.L_overlay_start_0:
0x88: {  	s2 =	sld [smem:$0x3FD9]  }
0x89: {  	s3 =	sld [smem:$0x3FFE];
	_ =	sdelay $0x1  }
0x8a: {  	s1 =	srdreg.scid  }
0x8b: {  	s0 =	sand.u32 $0x1, s1  }
0x8c: {  	s17 =	sshll.u32 s0, $0xA;
	s2 =	sadd.s32 s3, s2  }
0x8d: {  	s2 =	sadd.s32 s2, s17  }
0x8e: {  	[smem:$0x3FC2] =	sst s2  }
0x8f: {  	_ = 	snop  }
0x90: {  	s2 =	sld [smem:$0x3FD0];
	(tm) =	ssettm $0x1  }
0x91: {  	s18 =	sld [smem:$0x3FFB];
	_ =	sdelay $0x3  }
0x92: {  	_ =	strace s18  }
0x93: {  	s3 =	sld [smem:$0x3FFC];
	_ =	sdelay $0x3  }
0x94: {  	_ =	strace s3  }
0x95: {  	s3 =	sld [smem:$0x3FFD];
	_ =	sdelay $0x3  }
0x96: {  	_ =	strace s3  }
0x97: {  	_ =	strace $0x8FFFFFFF  }
0x98: {  	s19 =	sld [smem:$0x3FDB];
	_ =	sdelay $0x1  }
0x99: {  	s4 =	simm.s32 $_scs_section_size  }
0x9a: {  	s5 =	simm.s32 $_size__tile_overlayer_lowered;
	s6 =	simm.s32 $_tile_overlayer_lowered  }
0x9b: {  	s22 =	simm.s32 $0x1BFF;
	s21 =	sshll.u32 s6, $0x1;
	s3 =	sadd.s32 s4, s19  }
0x9c: {  	s7 =	simm.s32 $0x0;
	s20 =	sshll.u32 s5, $0x1;
	s5 =	sadd.s32 s21, s3  }
0x9d: {  	[timem:s7], [sflag:s22] =	dma.local [hbm:s5], s20  }
0x9e: {  	_ =	swait.ge [sflag:s22], s20  }
0x9f: {  	s4 =	ssub.s32 $0x0, s20;
	[sflag:s22] =	ssyncset.done $0x0  }
0xa0: {  	[sflag:s22] =	ssyncadd.s32 s4;
	_ =	sdelay $0x1  }
0xa1: {  	s23 =	simm.s32 $0x1B8B  }
0xa2: {  	_ =	swait.ge [sflag:s23], $0x1  }
0xa3: {  	[sflag:s23] =	ssyncset.done $0x0  }
0xa4: {  	s25 =	simm.s32 $0x1B8E;
	s24 =	sld [smem:$0x3FFE];
	[sflag:s23] =	ssyncadd.s32 $0xFFFFFFFF  }
0xa5: {  	s26 =	simm.s32 $execute0_lowered;
	[smem:$0x3FD2] =	sst s25  }
0xa6: {  	s5 =	sshll.u32 s26, $0x1;
	_ =	strace $0x80000046;
	[dreg:$0x1] =	wrdreg $0xFFFFFFFF  }
0xa7: {  	s28 =	simm.s32 $_size_execute0_lowered;
	s3 =	sadd.s32 s3, s5;
	[dreg:$0x0] =	wrdreg $0x0  }
0xa8: {  	s5 =	sshll.u32 s28, $0x1;
	[dreg:$0x2] =	wrdreg s3  }
0xa9: {  	[dreg:$0x3] =	wrdreg s5  }
0xaa: {  	[dreg:$0x4] =	wrdreg $0xC0  }
0xab: {  	_ =	task [dreg:s7], $0x5FFFF  }
0xac: {  	[dreg:$0x1] =	wrdreg $0xFFFFFFFF  }
0xad: {  	[dreg:$0x0] =	wrdreg $0x60  }
0xae: {  	[dreg:$0x2] =	wrdreg s24  }
0xaf: {  	[dreg:$0x3] =	wrdreg s2  }
0xb0: {  	[dreg:$0x4] =	wrdreg $0x3200  }
0xb1: {  	[dreg:$0x5] =	wrdreg $0x5A00  }
0xb2: {  	[dreg:$0x6] =	wrdreg $0x9  }
0xb3: {  	_ =	task.clear_ibuf [dreg:s7], $0x7FFFF;
	_ =	strace $0x90000046  }
0xb4: {  	s29 =	simm.s32 $0x9;
	_ =	strace $0x80000048  }
0xb5: {  	_ =	swait.ge [sflag:s29], $0x1  }
0xb6: {  	[sflag:s29] =	ssyncadd.s32 $0xFFFFFFFF  }
0xb7: {  	_ =	strace $0x90000048  }
0xb8: {  	_ =	sfence  }
0xb9: {  	s30 =	sld [smem:$0x0];
	_ =	sdelay $0x2  }
0xba: {  	s31 =	sshll.u32 s1, $0xD;
	s1 =	sshrl.u32 s1, $0x2  }
0xbb: {  	s3 =	sand.u32 $0x4000, s31;
	s1 =	sadd.s32 s1, s30  }
0xbc: {  	s0 =	sor.u32 s3, s0;
	s1 =	sshll.u32 s1, $0x11  }
0xbd: {  	s0 =	sor.u32 s1, s0  }
0xbe: {  	s0 =	sadd.s32 $0x8F2B, s0  }
0xbf: {  	[sflag:s0] =	ssyncadd.remote.s32 $0x1  }
0xc0: {  	_ =	sfence.sel $0xFFFF  }
0xc1: {  	[dreg:$0x0] =	wrdreg $0xFFFFFFFF;
	(pc) =	sbr.abs _section_cstart, $3  }
0xc2: {  	[dreg:$0x1] =	wrdreg $0xFFFFFFFF  }
0xc3: {  	_ =	task.clear_ibuf [dreg:s7], $0x2FFFF;
	_ =	strace $0x9FFFFFFF  }
0xc4: {  	(tm) =	ssettm $0x7FFFFFFF  }
0xc5: {  	_ =	shalt  }
tec
execute0_lowered:
.L_overlay_start_1:
0x0: {  	(tag) =	ssettag $0x1  }
0x1: {  	s5 =	rddreg [dreg:$0x0]  }
0x2: {  	s7 =	rddreg [dreg:$0x1]  }
0x3: {  	s0 =	srdreg.scid;
	s2 =	rddreg [dreg:$0x2]  }
0x4: {  	s3 =	rddreg [dreg:$0x3];
	s6 =	sand.u32 $0x1, s0  }
0x5: {  	s0 =	stileid.u32;
	s8 =	smul.u32 $0x27100, s6  }
0x6: {  	s1 =	rddreg [dreg:$0x4];
	s4 =	simm.s32 $0x0;
	s9 =	smul.u32 $0x2710, s0  }
0x7: {  	s13 =	simm.s32 $0x1;
	s14 =	simm.s32 $0x50;
	s10 =	smul.u32 $0x280, s0  }
0x8: {  	s18 =	simm.s32 $0x0;
	[smem:$0x7FF] =	sst s4;
	s11 =	smul.u32 $0x5000, s6  }
0x9: {  	_ =	strace $0x80000047;
	s6 =	ssub.s32 $0x2, s6;
	s15 =	sshll.u32 s0, $0x6  }
0xa: {  	s30 =	sshrl.u32 s6, $0x1;
	s15 =	sor.u32 $0x1C01, s15;
	s8 =	sadd.s32 s9, s8  }
0xb: {  	s11 =	sadd.s32 s10, s11;
	s9 =	ssub.s32 s6, s30;
	s6 =	sadd.s32 s10, s3  }
0xc: {  	s8 =	sshrl.u32 s8, $0x3;
	s31 =	sshrl.u32 s11, $0x3;
	s9 =	smax.u32 s9, $0x1  }
0xd: {  	s17 =	sshrl.u32 s6, $0x3;
	s12 =	sadd.s32 s8, s5;
	s7 =	sadd.s32 s7, s31  }
0xe: {  	s5 =	sadd.s32 s10, s2;
	s8 =	sadd.s32 $0x500, s7;
	s10 =	sadd.s32 $0x1A00, s12  }
0xf: {  	v0 =	vimm.f32 $1.000000000e+00;
	v1 =	vimm.f32 $0.0e+00;
	s11 =	sadd.s32 $0xB800, s12;
	s12 =	simm.s32 $0xA0;
	s16 =	sshrl.u32 s5, $0x3  }
.LBB2_1:
0x10: {  	[tilespmem:$0x50] =	vst v0  }
0x11: {  	[tilespmem:$0x60] =	vst v0  }
0x12: {  	[tilespmem:$0x70] =	vst v0  }
0x13: {  	[tilespmem:$0x80] =	vst v0  }
0x14: {  	[tilespmem:$0x90] =	vst v0  }
0x15: {  	[tilespmem:$0xA0] =	vst v1  }
0x16: {  	[tilespmem:$0xB0] =	vst v1  }
0x17: {  	[tilespmem:$0xC0] =	vst v1  }
0x18: {  	[tilespmem:$0xD0] =	vst v1  }
0x19: {  	[tilespmem:$0xE0] =	vst v1  }
0x1a: {  	[tilespmem:$0xF0] =	vst v1  }
0x1b: {  	[tilespmem:$0x100] =	vst v1  }
0x1c: {  	[tilespmem:$0x110] =	vst v1  }
0x1d: {  	[tilespmem:$0x120] =	vst v1  }
0x1e: {  	[tilespmem:$0x130] =	vst v1  }
0x1f: {  	[tilespmem:$0x140] =	vst v1  }
0x20: {  	[tilespmem:$0x150] =	vst v1  }
0x21: {  	[tilespmem:$0x160] =	vst v1  }
0x22: {  	[tilespmem:$0x170] =	vst v1  }
0x23: {  	[tilespmem:$0x180] =	vst v1  }
0x24: {  	[tilespmem:$0x190] =	vst v1  }
0x25: {  	[tilespmem:$0x1A0] =	vst v1  }
0x26: {  	[tilespmem:$0x1B0] =	vst v1  }
0x27: {  	[tilespmem:$0x1C0] =	vst v1  }
0x28: {  	[tilespmem:$0x1D0] =	vst v1  }
0x29: {  	[tilespmem:$0x1E0] =	vst v1  }
0x2a: {  	[tilespmem:$0x1F0] =	vst v1  }
0x2b: {  	[tilespmem:$0x200] =	vst v1  }
0x2c: {  	[tilespmem:$0x210] =	vst v1  }
0x2d: {  	[tilespmem:$0x220] =	vst v1  }
0x2e: {  	[tilespmem:$0x230] =	vst v1  }
0x2f: {  	[tilespmem:$0x240] =	vst v1  }
0x30: {  	[tilespmem:$0x250] =	vst v1  }
0x31: {  	[tilespmem:$0x260] =	vst v1  }
0x32: {  	[tilespmem:$0x270] =	vst v1  }
0x33: {  	[tilespmem:$0x280] =	vst v1  }
0x34: {  	[tilespmem:$0x290] =	vst v1  }
0x35: {  	[tilespmem:$0x2A0] =	vst v1  }
0x36: {  	[tilespmem:$0x2B0] =	vst v1  }
0x37: {  	[tilespmem:$0x2C0] =	vst v1  }
0x38: {  	[tilespmem:$0x2D0] =	vst v1  }
0x39: {  	[tilespmem:$0x2E0] =	vst v1  }
0x3a: {  	[tilespmem:$0x2F0] =	vst v1  }
0x3b: {  	[tilespmem:$0x300] =	vst v1  }
0x3c: {  	[tilespmem:$0x310] =	vst v1  }
0x3d: {  	[spmem:s5] =	stream.linear.scatter [tilespmem:s12], [sflag:$0x1], $0x280, $0x38;
	[tilespmem:$0x820] =	vst v63  }
0x3e: {  	_ =	swait.ge [sflag:s13], $0x280  }
0x3f: {  	[sflag:s13] =	ssyncset.done $0x0  }
0x40: {  	[sflag:s13] =	ssyncadd.s32 $0xFFFFFD80  }
0x41: {  	[spmem:s6] =	stream.linear.scatter [tilespmem:s12], [sflag:$0x1], $0x280, $0x38;
	[tilespmem:$0x820] =	vst v63  }
0x42: {  	_ =	swait.ge [sflag:s13], $0x280  }
0x43: {  	[sflag:s13] =	ssyncset.done $0x0  }
0x44: {  	[sflag:s13] =	ssyncadd.s32 $0xFFFFFD80  }
0x45: {  	s19 =	sadd.s32 $0x0, s11;
	[bflag:$0x0] =	sbarrier.arrive $0xFFFF  }
0x46: {  	[tilespmem:s4], [sflag:$0x1] =	stream.linear.gather [hbm4b:s19+s4], $0x50, $0x38;
	[tilespmem:$0x820] =	vst v63  }
0x47: {  	_ =	swait.ge [sflag:s13], $0x50  }
0x48: {  	[sflag:s13] =	ssyncset.done $0x0  }
0x49: {  	[sflag:s13] =	ssyncadd.s32 $0xFFFFFFB0  }
0x4a: {  	[spmem:s2] =	stream.indirect.scatter.add.f32 [tilespmem:s14], [sflag:$0x1], $0x1, s4, s14, $0xb8;
	[tilespmem:$0x820] =	vst v63  }
0x4b: {  	_ =	swait.ge [sflag:s13], $0x50  }
0x4c: {  	[sflag:s13] =	ssyncset.done $0x0  }
0x4d: {  	s31 =	sadd.s32 $0x0, s10;
	[sflag:s13] =	ssyncadd.s32 $0xFFFFFFB0  }
0x4e: {  	[tilespmem:s4], [sflag:$0x1] =	stream.linear.gather [hbm4b:s31+s4], $0x50, $0x38;
	[tilespmem:$0x820] =	vst v63  }
0x4f: {  	_ =	swait.ge [sflag:s13], $0x50  }
0x50: {  	[sflag:s13] =	ssyncset.done $0x0  }
0x51: {  	[sflag:s13] =	ssyncadd.s32 $0xFFFFFFB0  }
0x52: {  	[spmem:s3] =	stream.indirect.scatter.add.f32 [tilespmem:s14], [sflag:$0x1], $0x1, s4, s14, $0xb8;
	[tilespmem:$0x820] =	vst v63  }
0x53: {  	_ =	swait.ge [sflag:s13], $0x50  }
0x54: {  	s20 =	simm.s32 $0x14;
	s19 =	simm.s32 $0xA;
	[sflag:s13] =	ssyncset.done $0x0  }
.LBB2_2:
0x55: {  	s21 =	sadd.s32 s19, s11  }
0x56: {  	[sflag:s13] =	ssyncadd.s32 $0xFFFFFFB0;
	s22 =	smov.u32 s20;
	s23 =	sadd.s32 $0xA, s20  }
0x57: {  	[tilespmem:s4], [sflag:$0x1] =	stream.linear.gather [hbm4b:s21+s4], $0x50, $0x38;
	[tilespmem:$0x820] =	vst v63  }
0x58: {  	p0 =	sne.s32 s20, $0x4D8;
	_ =	swait.ge [sflag:s13], $0x50  }
0x59: {  	[sflag:s13] =	ssyncset.done $0x0  }
0x5a: {  	[sflag:s13] =	ssyncadd.s32 $0xFFFFFFB0  }
0x5b: {  	[spmem:s2] =	stream.indirect.scatter.add.f32 [tilespmem:s14], [sflag:$0x1], $0x1, s4, s14, $0xb8;
	[tilespmem:$0x820] =	vst v63  }
0x5c: {  	_ =	swait.ge [sflag:s13], $0x50  }
0x5d: {  	[sflag:s13] =	ssyncset.done $0x0  }
0x5e: {  	s20 =	sadd.s32 s19, s10;
	s19 =	smov.u32 s22;
	[sflag:s13] =	ssyncadd.s32 $0xFFFFFFB0  }
0x5f: {  	[tilespmem:s4], [sflag:$0x1] =	stream.linear.gather [hbm4b:s20+s4], $0x50, $0x38;
	[tilespmem:$0x820] =	vst v63  }
0x60: {  	_ =	swait.ge [sflag:s13], $0x50  }
.Ltmp0:
0x61: {  	[sflag:s13] =	ssyncset.done $0x0;
	(pc) =	sbr.rel @p0 .LBB2_2-.Ltmp0, $4  }
0x62: {  	[sflag:s13] =	ssyncadd.s32 $0xFFFFFFB0  }
0x63: {  	[spmem:s3] =	stream.indirect.scatter.add.f32 [tilespmem:s14], [sflag:$0x1], $0x1, s4, s14, $0xb8;
	[tilespmem:$0x820] =	vst v63  }
0x64: {  	_ =	swait.ge [sflag:s13], $0x50  }
0x65: {  	s20 =	smov.u32 s23;
	[sflag:s13] =	ssyncset.done $0x0  }
0x66: {  	s20 =	sadd.s32 s19, s11;
	[sflag:s13] =	ssyncadd.s32 $0xFFFFFFB0  }
0x67: {  	[tilespmem:s4], [sflag:$0x1] =	stream.linear.gather [hbm4b:s20+s4], $0x50, $0x38;
	[tilespmem:$0x820] =	vst v63  }
0x68: {  	_ =	swait.ge [sflag:s13], $0x50  }
0x69: {  	[sflag:s13] =	ssyncset.done $0x0  }
0x6a: {  	[sflag:s13] =	ssyncadd.s32 $0xFFFFFFB0  }
0x6b: {  	[spmem:s2] =	stream.indirect.scatter.add.f32 [tilespmem:s14], [sflag:$0x1], $0x1, s4, s14, $0xb8;
	[tilespmem:$0x820] =	vst v63  }
0x6c: {  	_ =	swait.ge [sflag:s13], $0x50  }
0x6d: {  	[sflag:s13] =	ssyncset.done $0x0  }
0x6e: {  	s31 =	sadd.s32 s19, s10;
	[sflag:s13] =	ssyncadd.s32 $0xFFFFFFB0  }
0x6f: {  	[tilespmem:s4], [sflag:$0x1] =	stream.linear.gather [hbm4b:s31+s4], $0x50, $0x38;
	[tilespmem:$0x820] =	vst v63  }
0x70: {  	_ =	swait.ge [sflag:s13], $0x50  }
0x71: {  	[sflag:s13] =	ssyncset.done $0x0  }
0x72: {  	[sflag:s13] =	ssyncadd.s32 $0xFFFFFFB0  }
0x73: {  	[spmem:s3] =	stream.indirect.scatter.add.f32 [tilespmem:s14], [sflag:$0x1], $0x1, s4, s14, $0xb8;
	[tilespmem:$0x820] =	vst v63  }
0x74: {  	_ =	swait.ge [sflag:s13], $0x50  }
0x75: {  	[sflag:s13] =	ssyncset.done $0x0  }
0x76: {  	[sflag:s13] =	ssyncadd.s32 $0xFFFFFFB0  }
0x77: {  	[bflag:$0x0] =	sbarrier.arrive $0xFFFF  }
0x78: {  	[hbm:s7], [sflag:s15] =	dma.local [spmem:s16], $0x50  }
0x79: {  	s18 =	sadd.s32 $0x1, s18;
	_ =	swait.ge [sflag:s13], $0x50  }
0x7a: {  	p0 =	sne.s32 s18, s9;
	[sflag:s13] =	ssyncset.done $0x0  }
.Ltmp1:
0x7b: {  	[sflag:s13] =	ssyncadd.s32 $0xFFFFFFB0;
	(pc) =	sbr.rel @p0 .LBB2_1-.Ltmp1, $4  }
0x7c: {  	[hbm:s8], [sflag:s15] =	dma.local [spmem:s17], $0x50  }
0x7d: {  	_ =	swait.ge [sflag:s13], $0x50  }
0x7e: {  	[sflag:s13] =	ssyncset.done $0x0  }
0x7f: {  	[sflag:s13] =	ssyncadd.s32 $0xFFFFFFB0  }
0x80: {  	_ =	sfence.sel $0x180000  }
0x81: {  	[bflag:$0x0] =	sbarrier.arrive $0xFFFF  }
0x82: {  	p0 =	sne.s32 s0, $0x0;
	_ =	strace $0x90000047  }
0x83: {  	s0 =	sadd.s32 @!p0 $0x100000, s1;
	[bflag:$0x2] =	sbarrier.arrive $0xFFFF  }
0x84: {  	[sflag:s0] =	ssyncadd.tile.s32 @!p0 $0x1;
	_ =	shalt  }
.Lfunc_end2:
_tile_overlayer_lowered:
.L_overlay_start_2:
0x85: {  	(tag) =	ssettag $0x2  }
0x86: {  	s0 =	rddreg [dreg:$0x0];
	s2 =	stileid.u32  }
0x87: {  	s1 =	rddreg [dreg:$0x1];
	p0 =	sne.s32 s2, $0x0  }
0x88: {  	s3 =	rddreg [dreg:$0x2];
	[bflag:$0x3] =	sbarrier.arrive $0xFFFF;
	s2 =	simm.s32 @!p0 $0x1C01  }
0x89: {  	[timem:s3], [sflag:s2] =	dma.local @!p0 [hbm:s0], s1  }
0x8a: {  	s0 =	simm.s32 @!p0 $0x1  }
0x8b: {  	_ =	swait.ge @!p0 [sflag:s0], s1  }
0x8c: {  	s1 =	ssub.s32 @!p0 $0x0, s1;
	[sflag:s0] =	ssyncset.done @!p0 $0x0  }
0x8d: {  	[sflag:s0] =	ssyncadd.s32 @!p0 s1  }
0x8e: {  	[bflag:$0x3] =	sbarrier.arrive $0xFFFF  }
0x8f: {  	_ =	shalt  }

</sc_bundles>
